<compile_context>
chip_gen: v7x
topology: tpu7x:2x2x1
jax: 0.10.2.dev20260603
libtpu: 0.0.44.dev20260713+nightly
codegen_flags: <defaults>
</compile_context>

<pallas_src>
import functools

import jax
import jax.numpy as jnp
from jax import lax
from jax.experimental import pallas as pl
from jax.experimental.pallas import tpu as pltpu
from jax.experimental.pallas import tpu_sc as plsc

B = 16
D1 = 64
D2 = 64
LW = 33
H = 224
W = 224
IMG = H * W
PIX = B * IMG

NC, NS = 2, 16
NW = NC * NS

PLANE = D2 * LW
CQ = 16
NQ = D1 // CQ
CHUNK = 1568
OUTBUF = CQ * CHUNK

NB = 8
SEC = NW // NB
PPT = IMG // SEC
NCHUNK = PPT // CHUNK


def _body(fm_hbm, fb_hbm, lut_hbm, out_hbm, planes_v, fm_v, fb_v, out_v,
          sem):
    wid = lax.axis_index("s") * NC + lax.axis_index("c")
    b = wid // SEC
    imgoff = (wid % SEC) * PPT

    def quarter_body(qq, _):
        pltpu.sync_copy(lut_hbm.at[pl.ds(qq * CQ * PLANE, CQ * PLANE)],
                        planes_v)

        def chunk_body(t, _):
            slot = (t % 2) * OUTBUF
            inbase = b * IMG + imgoff + t * CHUNK

            @pl.when(t >= 2)
            def _():
                pltpu.make_async_copy(
                    out_hbm.at[pl.ds(0, OUTBUF)],
                    out_v.at[pl.ds(slot, OUTBUF)], sem).wait()

            pltpu.sync_copy(fm_hbm.at[pl.ds(inbase, CHUNK)], fm_v)
            pltpu.sync_copy(fb_hbm.at[pl.ds(inbase, CHUNK)], fb_v)

            @functools.partial(plsc.parallel_loop, 0, CHUNK // 16, unroll=1)
            def pix_body(i):
                y = fm_v[pl.ds(i * 16, 16)]
                x = fb_v[pl.ds(i * 16, 16)]
                ix = ((x + 1.0) * LW - 1.0) * 0.5
                iy = ((y + 1.0) * D2 - 1.0) * 0.5
                ix0 = ix.astype(jnp.int32)
                iy0 = iy.astype(jnp.int32)
                fx = ix - ix0.astype(jnp.float32)
                fy = iy - iy0.astype(jnp.float32)
                wx0 = 1.0 - fx
                wy0 = 1.0 - fy
                fxm = jnp.where(ix0 < LW - 1, fx, 0.0)
                fym = jnp.where(iy0 < D2 - 1, fy, 0.0)
                ix1 = jnp.minimum(ix0 + 1, LW - 1)
                iy1 = jnp.minimum(iy0 + 1, D2 - 1)
                w00 = wx0 * wy0
                w01 = fxm * wy0
                w10 = wx0 * fym
                w11 = fxm * fym
                q00 = iy0 * LW + ix0
                q01 = iy0 * LW + ix1
                q10 = iy1 * LW + ix0
                q11 = iy1 * LW + ix1

                for c in range(CQ):
                    off = c * PLANE
                    g00 = plsc.load_gather(planes_v, [q00 + off])
                    g01 = plsc.load_gather(planes_v, [q01 + off])
                    g10 = plsc.load_gather(planes_v, [q10 + off])
                    g11 = plsc.load_gather(planes_v, [q11 + off])
                    val = g00 * w00 + g01 * w01 + g10 * w10 + g11 * w11
                    out_v[pl.ds(slot + c * CHUNK + i * 16, 16)] = val

            outpix = imgoff + t * CHUNK
            for c in range(CQ):
                dst = out_hbm.at[
                    pl.ds((b * D1 + qq * CQ + c) * IMG + outpix, CHUNK)]
                pltpu.async_copy(
                    out_v.at[pl.ds(slot + c * CHUNK, CHUNK)], dst, sem)
            return 0

        lax.fori_loop(0, NCHUNK, chunk_body, 0)

        for _ in range(2):
            pltpu.make_async_copy(out_hbm.at[pl.ds(0, OUTBUF)],
                                  out_v.at[pl.ds(0, OUTBUF)], sem).wait()
        return 0

    lax.fori_loop(0, NQ, quarter_body, 0)


def _run_half(fm_half, fb_half, lut_flat):
    mesh = plsc.VectorSubcoreMesh(core_axis_name="c", subcore_axis_name="s")
    f = functools.partial(
        pl.kernel,
        mesh=mesh,
        out_type=jax.ShapeDtypeStruct((NB * D1 * IMG,), jnp.float32),
        scratch_types=[
            pltpu.VMEM((CQ * PLANE,), jnp.float32),
            pltpu.VMEM((CHUNK,), jnp.float32),
            pltpu.VMEM((CHUNK,), jnp.float32),
            pltpu.VMEM((2 * OUTBUF,), jnp.float32),
            pltpu.SemaphoreType.DMA,
        ],
        compiler_params=pltpu.CompilerParams(needs_layout_passes=False),
    )(_body)
    return f(fm_half, fb_half, lut_flat)


@jax.jit
def _run(bio_maps, lut_flat):
    fm = bio_maps[0].reshape(PIX)
    fb = bio_maps[1].reshape(PIX)
    hp = NB * IMG
    o0 = _run_half(fm[:hp], fb[:hp], lut_flat)
    o1 = _run_half(fm[hp:], fb[hp:], lut_flat)
    return jnp.concatenate(
        [o0.reshape(NB, D1, H, W), o1.reshape(NB, D1, H, W)], axis=0)


def kernel(bio_maps, skin_reflec):
    lut_flat = skin_reflec[0].reshape(D1 * PLANE)
    return _run(bio_maps, lut_flat)

# --- scband reference (transcript-rebuilt; emitter-appended) ---
"""Pipeline reference for scband-compute-skin-reflectance-70849780515196 (READ-ONLY COPY).

The authoritative reference and input builder live on the scoring server;
editing this copy changes nothing except your own understanding.
"""

import jax, jax.numpy as jnp
import numpy as np

B = 16
D1 = 64   # fblood axis -> treated as channels by grid_sample (faithful to original code)
D2 = 64   # fmel axis -> H_in
L = 33    # wavelengths -> W_in
H = 224
W = 224


def grid_sample_bilinear(inp, grid):
    # inp: [N, C, Hin, Win]; grid: [N, Hg, Wg, 2] with (x, y) in [-1, 1]
    # torch defaults: mode='bilinear', padding_mode='zeros', align_corners=False
    N, C, Hin, Win = inp.shape
    Hg, Wg = grid.shape[1], grid.shape[2]
    x = grid[..., 0]
    y = grid[..., 1]
    ix = ((x + 1.0) * Win - 1.0) / 2.0
    iy = ((y + 1.0) * Hin - 1.0) / 2.0
    ix0 = jnp.floor(ix)
    iy0 = jnp.floor(iy)
    ix1 = ix0 + 1.0
    iy1 = iy0 + 1.0
    w00 = (ix1 - ix) * (iy1 - iy)
    w01 = (ix - ix0) * (iy1 - iy)
    w10 = (ix1 - ix) * (iy - iy0)
    w11 = (ix - ix0) * (iy - iy0)
    flat = inp.reshape(N, C, Hin * Win)

    def corner(iyc, ixc, w):
        valid = (iyc >= 0) & (iyc <= Hin - 1) & (ixc >= 0) & (ixc <= Win - 1)
        m = valid.astype(inp.dtype)
        iyi = jnp.clip(iyc, 0, Hin - 1).astype(jnp.int32)
        ixi = jnp.clip(ixc, 0, Win - 1).astype(jnp.int32)
        lin = (iyi * Win + ixi).reshape(N, 1, Hg * Wg)
        vals = jnp.take_along_axis(flat, jnp.broadcast_to(lin, (N, C, Hg * Wg)), axis=2)
        return vals * (w * m).reshape(N, 1, Hg * Wg)

    out = (corner(iy0, ix0, w00) + corner(iy0, ix1, w01)
           + corner(iy1, ix0, w10) + corner(iy1, ix1, w11))
    return out.reshape(N, C, Hg, Wg)


def setup_inputs(seed: int = 0):
    key = jax.random.key(seed)
    k1, k2 = jax.random.split(key)
    # bio_maps[0] = fmel, bio_maps[1] = fblood, each [B, 1, H, W], values in [0, 1)
    bio_maps = jax.random.uniform(k1, (2, B, 1, H, W), dtype=jnp.float32)
    # skin reflectance LUT [d1, d2, L], reshaped to [1, d1, d2, L] then repeated over batch
    base = jax.random.uniform(k2, (D1, D2, L), dtype=jnp.float32)
    skin_reflec = jnp.tile(base[None, :, :, :], (B, 1, 1, 1))
    return {"bio_maps": bio_maps, "skin_reflec": skin_reflec}


def reference(bio_maps, skin_reflec):
    fmel = bio_maps[0]    # [B, 1, H, W]
    fblood = bio_maps[1]  # [B, 1, H, W]
    bio = jnp.stack([fblood, fmel])                      # [2, B, 1, H, W]
    bio = bio.reshape(bio.shape[0:2] + bio.shape[3:5])   # [2, B, H, W]
    grid = jnp.transpose(bio, (1, 2, 3, 0))              # [B, H, W, 2]
    return grid_sample_bilinear(skin_reflec, grid)       # [B, D1, H, W]

if __name__ == "__main__":
    import jax
    _d = setup_inputs()
    print(jax.jit(kernel)(*tuple(_d.values())))

</pallas_src>

<mosaic_0001>
#map = affine_map<(d0, d1) -> (0)>
module attributes {stable_mosaic.version = 14 : i64} {
  func.func @_body(%arg0: i32, %arg1: i32, %arg2: memref<401408xf32, #tpu.memory_space<hbm>>, %arg3: memref<401408xf32, #tpu.memory_space<hbm>>, %arg4: memref<135168xf32, #tpu.memory_space<hbm>>, %arg5: memref<25690112xf32, #tpu.memory_space<hbm>>, %arg6: memref<33792xf32, #tpu.memory_space<vmem>>, %arg7: memref<1568xf32, #tpu.memory_space<vmem>>, %arg8: memref<1568xf32, #tpu.memory_space<vmem>>, %arg9: memref<50176xf32, #tpu.memory_space<vmem>>, %arg10: memref<!tpu.dma_semaphore, #tpu.memory_space<semaphore_mem>>) attributes {dimension_semantics = [#tpu.dimension_semantics<core_parallel>, #tpu.dimension_semantics<subcore_parallel>], iteration_bounds = array<i64: 2, 16>, scalar_prefetch = 0 : i64, scratch_operands = 5 : i64, tpu.core_type = #tpu.core_type<sc_vector_subcore>, window_params = [{transform_indices = #map}, {transform_indices = #map}, {transform_indices = #map}, {transform_indices = #map}]} {
    %mul3A = arith.constant 2 : i32
    %mul3A_0 = arith.muli %arg1, %mul3A : i32
    %add3A = arith.addi %mul3A_0, %arg0 : i32
    %jit3A = arith.constant 4 : i32
    %div3A = arith.divsi %add3A, %jit3A : i32
    %sign3A = arith.constant 0 : i32
    %sign3A_1 = arith.cmpi sgt, %add3A, %sign3A : i32
    %sign3A_2 = arith.extui %sign3A_1 : i1 to i32
    %sign3A_3 = arith.constant 0 : i32
    %sign3A_4 = arith.cmpi slt, %add3A, %sign3A_3 : i32
    %sign3A_5 = arith.extui %sign3A_4 : i1 to i32
    %sign3A_6 = arith.subi %sign3A_2, %sign3A_5 : i32
    %sign3A_7 = arith.constant 0 : i32
    %sign3A_8 = arith.cmpi sgt, %jit3A, %sign3A_7 : i32
    %sign3A_9 = arith.extui %sign3A_8 : i1 to i32
    %sign3A_10 = arith.constant 0 : i32
    %sign3A_11 = arith.cmpi slt, %jit3A, %sign3A_10 : i32
    %sign3A_12 = arith.extui %sign3A_11 : i1 to i32
    %sign3A_13 = arith.subi %sign3A_9, %sign3A_12 : i32
    %ne3A = arith.cmpi ne, %sign3A_6, %sign3A_13 : i32
    %rem3A = arith.remsi %add3A, %jit3A : i32
    %ne3A_14 = arith.constant 0 : i32
    %ne3A_15 = arith.cmpi ne, %rem3A, %ne3A_14 : i32
    %and3A = arith.andi %ne3A, %ne3A_15 : i1
    %sub3A = arith.constant 1 : i32
    %sub3A_16 = arith.subi %div3A, %sub3A : i32
    %select_n3A = arith.select %and3A, %sub3A_16, %div3A : i32
    %jit3A_17 = arith.constant 4 : i32
    %eq3A = arith.constant 0 : i32
    %eq3A_18 = arith.cmpi eq, %jit3A_17, %eq3A : i32
    %jit3A_19 = arith.constant 1 : i32
    %select_n3A_20 = arith.select %eq3A_18, %jit3A_19, %jit3A_17 : i32
    %rem3A_21 = arith.remsi %add3A, %select_n3A_20 : i32
    %ne3A_22 = arith.constant 0 : i32
    %ne3A_23 = arith.cmpi ne, %rem3A_21, %ne3A_22 : i32
    %lt3A = arith.constant 0 : i32
    %lt3A_24 = arith.cmpi slt, %rem3A_21, %lt3A : i32
    %lt3A_25 = arith.constant 0 : i32
    %lt3A_26 = arith.cmpi slt, %select_n3A_20, %lt3A_25 : i32
    %ne3A_27 = arith.xori %lt3A_24, %lt3A_26 : i1
    %and3A_28 = arith.andi %ne3A_27, %ne3A_23 : i1
    %add3A_29 = arith.addi %rem3A_21, %select_n3A_20 : i32
    %select_n3A_30 = arith.select %and3A_28, %add3A_29, %rem3A_21 : i32
    %mul3A_31 = arith.constant 12544 : i32
    %mul3A_32 = arith.muli %select_n3A_30, %mul3A_31 : i32
    %scan3A = arith.constant 0 : i32
    %scan3A_33 = arith.constant 0 : i32
    %scan3A_34 = arith.constant 4 : i32
    %scan3A_35 = arith.addi %scan3A_33, %scan3A_34 : i32
    %scan3A_36 = arith.constant 1 : i32
    %scan3A_37 = scf.for %scan3A_39 = %scan3A_33 to %scan3A_35 step %scan3A_36 iter_args(%scan3A_40 = %scan3A) -> (i32)  : i32 {
      %mul3A_41 = arith.constant 16 : i32
      %mul3A_42 = arith.muli %scan3A_39, %mul3A_41 : i32
      %mul3A_43 = arith.constant 2112 : i32
      %mul3A_44 = arith.muli %mul3A_42, %mul3A_43 : i32
      "tpu.region"() ({
        %run_scoped3A = tpu.sem_alloc : memref<!tpu.dma_semaphore, #tpu.memory_space<semaphore_mem>>
        %dma_start3A = tpu.memref_slice %arg4[%mul3A_44] : memref<135168xf32, #tpu.memory_space<hbm>> -> memref<33792xf32, #tpu.memory_space<hbm>>
        %dma_start3A_68 = tpu.memref_slice %arg4[%mul3A_44] : memref<135168xf32, #tpu.memory_space<hbm>> -> memref<33792xf32, #tpu.memory_space<hbm>>
        tpu.enqueue_dma source(%dma_start3A_68 : memref<33792xf32, #tpu.memory_space<hbm>>) target(%arg6 : memref<33792xf32, #tpu.memory_space<vmem>>) target_semaphore(%run_scoped3A : memref<!tpu.dma_semaphore, #tpu.memory_space<semaphore_mem>>)
        %dma_wait3A_69 = tpu.memref_slice %arg4[%mul3A_44] : memref<135168xf32, #tpu.memory_space<hbm>> -> memref<33792xf32, #tpu.memory_space<hbm>>
        %dma_wait3A_70 = tpu.memref_slice %arg4[%mul3A_44] : memref<135168xf32, #tpu.memory_space<hbm>> -> memref<33792xf32, #tpu.memory_space<hbm>>
        tpu.wait_dma2 semaphore(%run_scoped3A : memref<!tpu.dma_semaphore, #tpu.memory_space<semaphore_mem>>) src(%dma_wait3A_70 : memref<33792xf32, #tpu.memory_space<hbm>>) dst(%arg6 : memref<33792xf32, #tpu.memory_space<vmem>>)
        tpu.yield
      }) : () -> ()
      %scan3A_45 = arith.constant 0 : i32
      %scan3A_46 = arith.constant 0 : i32
      %scan3A_47 = arith.constant 8 : i32
      %scan3A_48 = arith.addi %scan3A_46, %scan3A_47 : i32
      %scan3A_49 = arith.constant 1 : i32
      %scan3A_50 = scf.for %scan3A_68 = %scan3A_46 to %scan3A_48 step %scan3A_49 iter_args(%scan3A_69 = %scan3A_45) -> (i32)  : i32 {
        %jit3A_70 = arith.constant 2 : i32
        %eq3A_71 = arith.constant 0 : i32
        %eq3A_72 = arith.cmpi eq, %jit3A_70, %eq3A_71 : i32
        %jit3A_73 = arith.constant 1 : i32
        %select_n3A_74 = arith.select %eq3A_72, %jit3A_73, %jit3A_70 : i32
        %rem3A_75 = arith.remsi %scan3A_68, %select_n3A_74 : i32
        %ne3A_76 = arith.constant 0 : i32
        %ne3A_77 = arith.cmpi ne, %rem3A_75, %ne3A_76 : i32
        %lt3A_78 = arith.constant 0 : i32
        %lt3A_79 = arith.cmpi slt, %rem3A_75, %lt3A_78 : i32
        %lt3A_80 = arith.constant 0 : i32
        %lt3A_81 = arith.cmpi slt, %select_n3A_74, %lt3A_80 : i32
        %ne3A_82 = arith.xori %lt3A_79, %lt3A_81 : i1
        %and3A_83 = arith.andi %ne3A_82, %ne3A_77 : i1
        %add3A_84 = arith.addi %rem3A_75, %select_n3A_74 : i32
        %select_n3A_85 = arith.select %and3A_83, %add3A_84, %rem3A_75 : i32
        %mul3A_86 = arith.constant 25088 : i32
        %mul3A_87 = arith.muli %select_n3A_85, %mul3A_86 : i32
        %mul3A_88 = arith.constant 50176 : i32
        %mul3A_89 = arith.muli %select_n3A, %mul3A_88 : i32
        %add3A_90 = arith.addi %mul3A_89, %mul3A_32 : i32
        %mul3A_91 = arith.constant 1568 : i32
        %mul3A_92 = arith.muli %scan3A_68, %mul3A_91 : i32
        %add3A_93 = arith.addi %add3A_90, %mul3A_92 : i32
        %ge3A = arith.constant 2 : i32
        %ge3A_94 = arith.cmpi sge, %scan3A_68, %ge3A : i32
        %convert_element_type3A = arith.extui %ge3A_94 : i1 to i32
        %cond3A = arith.constant 0 : i32
        %cond3A_95 = arith.cmpi ne, %convert_element_type3A, %cond3A : i32
        scf.if %cond3A_95 {
          %dma_wait3A_355 = tpu.memref_slice %arg9[%mul3A_87] : memref<50176xf32, #tpu.memory_space<vmem>> -> memref<25088xf32, #tpu.memory_space<vmem>>
          %dma_wait3A_356 = arith.constant 0 : i32
          %dma_wait3A_357 = tpu.memref_slice %arg5[%dma_wait3A_356] : memref<25690112xf32, #tpu.memory_space<hbm>> -> memref<25088xf32, #tpu.memory_space<hbm>>
          %dma_wait3A_358 = tpu.memref_slice %arg9[%mul3A_87] : memref<50176xf32, #tpu.memory_space<vmem>> -> memref<25088xf32, #tpu.memory_space<vmem>>
          %dma_wait3A_359 = arith.constant 0 : i32
          %dma_wait3A_360 = tpu.memref_slice %arg5[%dma_wait3A_359] : memref<25690112xf32, #tpu.memory_space<hbm>> -> memref<25088xf32, #tpu.memory_space<hbm>>
          tpu.wait_dma2 semaphore(%arg10 : memref<!tpu.dma_semaphore, #tpu.memory_space<semaphore_mem>>) src(%dma_wait3A_360 : memref<25088xf32, #tpu.memory_space<hbm>>) dst(%dma_wait3A_358 : memref<25088xf32, #tpu.memory_space<vmem>>)
        } else {
        }
        "tpu.region"() ({
          %run_scoped3A = tpu.sem_alloc : memref<!tpu.dma_semaphore, #tpu.memory_space<semaphore_mem>>
          %dma_start3A_355 = tpu.memref_slice %arg2[%add3A_93] : memref<401408xf32, #tpu.memory_space<hbm>> -> memref<1568xf32, #tpu.memory_space<hbm>>
          %dma_start3A_356 = tpu.memref_slice %arg2[%add3A_93] : memref<401408xf32, #tpu.memory_space<hbm>> -> memref<1568xf32, #tpu.memory_space<hbm>>
          tpu.enqueue_dma source(%dma_start3A_356 : memref<1568xf32, #tpu.memory_space<hbm>>) target(%arg7 : memref<1568xf32, #tpu.memory_space<vmem>>) target_semaphore(%run_scoped3A : memref<!tpu.dma_semaphore, #tpu.memory_space<semaphore_mem>>)
          %dma_wait3A_357 = tpu.memref_slice %arg2[%add3A_93] : memref<401408xf32, #tpu.memory_space<hbm>> -> memref<1568xf32, #tpu.memory_space<hbm>>
          %dma_wait3A_358 = tpu.memref_slice %arg2[%add3A_93] : memref<401408xf32, #tpu.memory_space<hbm>> -> memref<1568xf32, #tpu.memory_space<hbm>>
          tpu.wait_dma2 semaphore(%run_scoped3A : memref<!tpu.dma_semaphore, #tpu.memory_space<semaphore_mem>>) src(%dma_wait3A_358 : memref<1568xf32, #tpu.memory_space<hbm>>) dst(%arg7 : memref<1568xf32, #tpu.memory_space<vmem>>)
          tpu.yield
        }) : () -> ()
        "tpu.region"() ({
          %run_scoped3A = tpu.sem_alloc : memref<!tpu.dma_semaphore, #tpu.memory_space<semaphore_mem>>
          %dma_start3A_355 = tpu.memref_slice %arg3[%add3A_93] : memref<401408xf32, #tpu.memory_space<hbm>> -> memref<1568xf32, #tpu.memory_space<hbm>>
          %dma_start3A_356 = tpu.memref_slice %arg3[%add3A_93] : memref<401408xf32, #tpu.memory_space<hbm>> -> memref<1568xf32, #tpu.memory_space<hbm>>
          tpu.enqueue_dma source(%dma_start3A_356 : memref<1568xf32, #tpu.memory_space<hbm>>) target(%arg8 : memref<1568xf32, #tpu.memory_space<vmem>>) target_semaphore(%run_scoped3A : memref<!tpu.dma_semaphore, #tpu.memory_space<semaphore_mem>>)
          %dma_wait3A_357 = tpu.memref_slice %arg3[%add3A_93] : memref<401408xf32, #tpu.memory_space<hbm>> -> memref<1568xf32, #tpu.memory_space<hbm>>
          %dma_wait3A_358 = tpu.memref_slice %arg3[%add3A_93] : memref<401408xf32, #tpu.memory_space<hbm>> -> memref<1568xf32, #tpu.memory_space<hbm>>
          tpu.wait_dma2 semaphore(%run_scoped3A : memref<!tpu.dma_semaphore, #tpu.memory_space<semaphore_mem>>) src(%dma_wait3A_358 : memref<1568xf32, #tpu.memory_space<hbm>>) dst(%arg8 : memref<1568xf32, #tpu.memory_space<vmem>>)
          tpu.yield
        }) : () -> ()
        %mul3A_96 = arith.constant 1568 : i32
        %mul3A_97 = arith.muli %scan3A_68, %mul3A_96 : i32
        %add3A_98 = arith.addi %mul3A_32, %mul3A_97 : i32
        %mul3A_99 = arith.constant 64 : i32
        %mul3A_100 = arith.muli %select_n3A, %mul3A_99 : i32
        %mul3A_101 = arith.constant 16 : i32
        %mul3A_102 = arith.muli %scan3A_39, %mul3A_101 : i32
        %add3A_103 = arith.addi %mul3A_100, %mul3A_102 : i32
        %add3A_104 = arith.constant 0 : i32
        %add3A_105 = arith.addi %add3A_103, %add3A_104 : i32
        %mul3A_106 = arith.constant 50176 : i32
        %mul3A_107 = arith.muli %add3A_105, %mul3A_106 : i32
        %add3A_108 = arith.addi %mul3A_107, %add3A_98 : i32
        %add3A_109 = arith.constant 0 : i32
        %add3A_110 = arith.addi %mul3A_87, %add3A_109 : i32
        %dma_start3A = tpu.memref_slice %arg9[%add3A_110] : memref<50176xf32, #tpu.memory_space<vmem>> -> memref<1568xf32, #tpu.memory_space<vmem>>
        %dma_start3A_111 = tpu.memref_slice %arg5[%add3A_108] : memref<25690112xf32, #tpu.memory_space<hbm>> -> memref<1568xf32, #tpu.memory_space<hbm>>
        %dma_start3A_112 = tpu.memref_slice %arg5[%add3A_108] : memref<25690112xf32, #tpu.memory_space<hbm>> -> memref<1568xf32, #tpu.memory_space<hbm>>
        %dma_start3A_113 = tpu.memref_slice %arg9[%add3A_110] : memref<50176xf32, #tpu.memory_space<vmem>> -> memref<1568xf32, #tpu.memory_space<vmem>>
        tpu.enqueue_dma source(%dma_start3A_113 : memref<1568xf32, #tpu.memory_space<vmem>>) target(%dma_start3A_112 : memref<1568xf32, #tpu.memory_space<hbm>>) target_semaphore(%arg10 : memref<!tpu.dma_semaphore, #tpu.memory_space<semaphore_mem>>)
        %mul3A_114 = arith.constant 64 : i32
        %mul3A_115 = arith.muli %select_n3A, %mul3A_114 : i32
        %mul3A_116 = arith.constant 16 : i32
        %mul3A_117 = arith.muli %scan3A_39, %mul3A_116 : i32
        %add3A_118 = arith.addi %mul3A_115, %mul3A_117 : i32
        %add3A_119 = arith.constant 1 : i32
        %add3A_120 = arith.addi %add3A_118, %add3A_119 : i32
        %mul3A_121 = arith.constant 50176 : i32
        %mul3A_122 = arith.muli %add3A_120, %mul3A_121 : i32
        %add3A_123 = arith.addi %mul3A_122, %add3A_98 : i32
        %add3A_124 = arith.constant 1568 : i32
        %add3A_125 = arith.addi %mul3A_87, %add3A_124 : i32
        %dma_start3A_126 = tpu.memref_slice %arg9[%add3A_125] : memref<50176xf32, #tpu.memory_space<vmem>> -> memref<1568xf32, #tpu.memory_space<vmem>>
        %dma_start3A_127 = tpu.memref_slice %arg5[%add3A_123] : memref<25690112xf32, #tpu.memory_space<hbm>> -> memref<1568xf32, #tpu.memory_space<hbm>>
        %dma_start3A_128 = tpu.memref_slice %arg5[%add3A_123] : memref<25690112xf32, #tpu.memory_space<hbm>> -> memref<1568xf32, #tpu.memory_space<hbm>>
        %dma_start3A_129 = tpu.memref_slice %arg9[%add3A_125] : memref<50176xf32, #tpu.memory_space<vmem>> -> memref<1568xf32, #tpu.memory_space<vmem>>
        tpu.enqueue_dma source(%dma_start3A_129 : memref<1568xf32, #tpu.memory_space<vmem>>) target(%dma_start3A_128 : memref<1568xf32, #tpu.memory_space<hbm>>) target_semaphore(%arg10 : memref<!tpu.dma_semaphore, #tpu.memory_space<semaphore_mem>>)
        %mul3A_130 = arith.constant 64 : i32
        %mul3A_131 = arith.muli %select_n3A, %mul3A_130 : i32
        %mul3A_132 = arith.constant 16 : i32
        %mul3A_133 = arith.muli %scan3A_39, %mul3A_132 : i32
        %add3A_134 = arith.addi %mul3A_131, %mul3A_133 : i32
        %add3A_135 = arith.constant 2 : i32
        %add3A_136 = arith.addi %add3A_134, %add3A_135 : i32
        %mul3A_137 = arith.constant 50176 : i32
        %mul3A_138 = arith.muli %add3A_136, %mul3A_137 : i32
        %add3A_139 = arith.addi %mul3A_138, %add3A_98 : i32
        %add3A_140 = arith.constant 3136 : i32
        %add3A_141 = arith.addi %mul3A_87, %add3A_140 : i32
        %dma_start3A_142 = tpu.memref_slice %arg9[%add3A_141] : memref<50176xf32, #tpu.memory_space<vmem>> -> memref<1568xf32, #tpu.memory_space<vmem>>
        %dma_start3A_143 = tpu.memref_slice %arg5[%add3A_139] : memref<25690112xf32, #tpu.memory_space<hbm>> -> memref<1568xf32, #tpu.memory_space<hbm>>
        %dma_start3A_144 = tpu.memref_slice %arg5[%add3A_139] : memref<25690112xf32, #tpu.memory_space<hbm>> -> memref<1568xf32, #tpu.memory_space<hbm>>
        %dma_start3A_145 = tpu.memref_slice %arg9[%add3A_141] : memref<50176xf32, #tpu.memory_space<vmem>> -> memref<1568xf32, #tpu.memory_space<vmem>>
        tpu.enqueue_dma source(%dma_start3A_145 : memref<1568xf32, #tpu.memory_space<vmem>>) target(%dma_start3A_144 : memref<1568xf32, #tpu.memory_space<hbm>>) target_semaphore(%arg10 : memref<!tpu.dma_semaphore, #tpu.memory_space<semaphore_mem>>)
        %mul3A_146 = arith.constant 64 : i32
        %mul3A_147 = arith.muli %select_n3A, %mul3A_146 : i32
        %mul3A_148 = arith.constant 16 : i32
        %mul3A_149 = arith.muli %scan3A_39, %mul3A_148 : i32
        %add3A_150 = arith.addi %mul3A_147, %mul3A_149 : i32
        %add3A_151 = arith.constant 3 : i32
        %add3A_152 = arith.addi %add3A_150, %add3A_151 : i32
        %mul3A_153 = arith.constant 50176 : i32
        %mul3A_154 = arith.muli %add3A_152, %mul3A_153 : i32
        %add3A_155 = arith.addi %mul3A_154, %add3A_98 : i32
        %add3A_156 = arith.constant 4704 : i32
        %add3A_157 = arith.addi %mul3A_87, %add3A_156 : i32
        %dma_start3A_158 = tpu.memref_slice %arg9[%add3A_157] : memref<50176xf32, #tpu.memory_space<vmem>> -> memref<1568xf32, #tpu.memory_space<vmem>>
        %dma_start3A_159 = tpu.memref_slice %arg5[%add3A_155] : memref<25690112xf32, #tpu.memory_space<hbm>> -> memref<1568xf32, #tpu.memory_space<hbm>>
        %dma_start3A_160 = tpu.memref_slice %arg5[%add3A_155] : memref<25690112xf32, #tpu.memory_space<hbm>> -> memref<1568xf32, #tpu.memory_space<hbm>>
        %dma_start3A_161 = tpu.memref_slice %arg9[%add3A_157] : memref<50176xf32, #tpu.memory_space<vmem>> -> memref<1568xf32, #tpu.memory_space<vmem>>
        tpu.enqueue_dma source(%dma_start3A_161 : memref<1568xf32, #tpu.memory_space<vmem>>) target(%dma_start3A_160 : memref<1568xf32, #tpu.memory_space<hbm>>) target_semaphore(%arg10 : memref<!tpu.dma_semaphore, #tpu.memory_space<semaphore_mem>>)
        %mul3A_162 = arith.constant 64 : i32
        %mul3A_163 = arith.muli %select_n3A, %mul3A_162 : i32
        %mul3A_164 = arith.constant 16 : i32
        %mul3A_165 = arith.muli %scan3A_39, %mul3A_164 : i32
        %add3A_166 = arith.addi %mul3A_163, %mul3A_165 : i32
        %add3A_167 = arith.constant 4 : i32
        %add3A_168 = arith.addi %add3A_166, %add3A_167 : i32
        %mul3A_169 = arith.constant 50176 : i32
        %mul3A_170 = arith.muli %add3A_168, %mul3A_169 : i32
        %add3A_171 = arith.addi %mul3A_170, %add3A_98 : i32
        %add3A_172 = arith.constant 6272 : i32
        %add3A_173 = arith.addi %mul3A_87, %add3A_172 : i32
        %dma_start3A_174 = tpu.memref_slice %arg9[%add3A_173] : memref<50176xf32, #tpu.memory_space<vmem>> -> memref<1568xf32, #tpu.memory_space<vmem>>
        %dma_start3A_175 = tpu.memref_slice %arg5[%add3A_171] : memref<25690112xf32, #tpu.memory_space<hbm>> -> memref<1568xf32, #tpu.memory_space<hbm>>
        %dma_start3A_176 = tpu.memref_slice %arg5[%add3A_171] : memref<25690112xf32, #tpu.memory_space<hbm>> -> memref<1568xf32, #tpu.memory_space<hbm>>
        %dma_start3A_177 = tpu.memref_slice %arg9[%add3A_173] : memref<50176xf32, #tpu.memory_space<vmem>> -> memref<1568xf32, #tpu.memory_space<vmem>>
        tpu.enqueue_dma source(%dma_start3A_177 : memref<1568xf32, #tpu.memory_space<vmem>>) target(%dma_start3A_176 : memref<1568xf32, #tpu.memory_space<hbm>>) target_semaphore(%arg10 : memref<!tpu.dma_semaphore, #tpu.memory_space<semaphore_mem>>)
        %mul3A_178 = arith.constant 64 : i32
        %mul3A_179 = arith.muli %select_n3A, %mul3A_178 : i32
        %mul3A_180 = arith.constant 16 : i32
        %mul3A_181 = arith.muli %scan3A_39, %mul3A_180 : i32
        %add3A_182 = arith.addi %mul3A_179, %mul3A_181 : i32
        %add3A_183 = arith.constant 5 : i32
        %add3A_184 = arith.addi %add3A_182, %add3A_183 : i32
        %mul3A_185 = arith.constant 50176 : i32
        %mul3A_186 = arith.muli %add3A_184, %mul3A_185 : i32
        %add3A_187 = arith.addi %mul3A_186, %add3A_98 : i32
        %add3A_188 = arith.constant 7840 : i32
        %add3A_189 = arith.addi %mul3A_87, %add3A_188 : i32
        %dma_start3A_190 = tpu.memref_slice %arg9[%add3A_189] : memref<50176xf32, #tpu.memory_space<vmem>> -> memref<1568xf32, #tpu.memory_space<vmem>>
        %dma_start3A_191 = tpu.memref_slice %arg5[%add3A_187] : memref<25690112xf32, #tpu.memory_space<hbm>> -> memref<1568xf32, #tpu.memory_space<hbm>>
        %dma_start3A_192 = tpu.memref_slice %arg5[%add3A_187] : memref<25690112xf32, #tpu.memory_space<hbm>> -> memref<1568xf32, #tpu.memory_space<hbm>>
        %dma_start3A_193 = tpu.memref_slice %arg9[%add3A_189] : memref<50176xf32, #tpu.memory_space<vmem>> -> memref<1568xf32, #tpu.memory_space<vmem>>
        tpu.enqueue_dma source(%dma_start3A_193 : memref<1568xf32, #tpu.memory_space<vmem>>) target(%dma_start3A_192 : memref<1568xf32, #tpu.memory_space<hbm>>) target_semaphore(%arg10 : memref<!tpu.dma_semaphore, #tpu.memory_space<semaphore_mem>>)
        %mul3A_194 = arith.constant 64 : i32
        %mul3A_195 = arith.muli %select_n3A, %mul3A_194 : i32
        %mul3A_196 = arith.constant 16 : i32
        %mul3A_197 = arith.muli %scan3A_39, %mul3A_196 : i32
        %add3A_198 = arith.addi %mul3A_195, %mul3A_197 : i32
        %add3A_199 = arith.constant 6 : i32
        %add3A_200 = arith.addi %add3A_198, %add3A_199 : i32
        %mul3A_201 = arith.constant 50176 : i32
        %mul3A_202 = arith.muli %add3A_200, %mul3A_201 : i32
        %add3A_203 = arith.addi %mul3A_202, %add3A_98 : i32
        %add3A_204 = arith.constant 9408 : i32
        %add3A_205 = arith.addi %mul3A_87, %add3A_204 : i32
        %dma_start3A_206 = tpu.memref_slice %arg9[%add3A_205] : memref<50176xf32, #tpu.memory_space<vmem>> -> memref<1568xf32, #tpu.memory_space<vmem>>
        %dma_start3A_207 = tpu.memref_slice %arg5[%add3A_203] : memref<25690112xf32, #tpu.memory_space<hbm>> -> memref<1568xf32, #tpu.memory_space<hbm>>
        %dma_start3A_208 = tpu.memref_slice %arg5[%add3A_203] : memref<25690112xf32, #tpu.memory_space<hbm>> -> memref<1568xf32, #tpu.memory_space<hbm>>
        %dma_start3A_209 = tpu.memref_slice %arg9[%add3A_205] : memref<50176xf32, #tpu.memory_space<vmem>> -> memref<1568xf32, #tpu.memory_space<vmem>>
        tpu.enqueue_dma source(%dma_start3A_209 : memref<1568xf32, #tpu.memory_space<vmem>>) target(%dma_start3A_208 : memref<1568xf32, #tpu.memory_space<hbm>>) target_semaphore(%arg10 : memref<!tpu.dma_semaphore, #tpu.memory_space<semaphore_mem>>)
        %mul3A_210 = arith.constant 64 : i32
        %mul3A_211 = arith.muli %select_n3A, %mul3A_210 : i32
        %mul3A_212 = arith.constant 16 : i32
        %mul3A_213 = arith.muli %scan3A_39, %mul3A_212 : i32
        %add3A_214 = arith.addi %mul3A_211, %mul3A_213 : i32
        %add3A_215 = arith.constant 7 : i32
        %add3A_216 = arith.addi %add3A_214, %add3A_215 : i32
        %mul3A_217 = arith.constant 50176 : i32
        %mul3A_218 = arith.muli %add3A_216, %mul3A_217 : i32
        %add3A_219 = arith.addi %mul3A_218, %add3A_98 : i32
        %add3A_220 = arith.constant 10976 : i32
        %add3A_221 = arith.addi %mul3A_87, %add3A_220 : i32
        %dma_start3A_222 = tpu.memref_slice %arg9[%add3A_221] : memref<50176xf32, #tpu.memory_space<vmem>> -> memref<1568xf32, #tpu.memory_space<vmem>>
        %dma_start3A_223 = tpu.memref_slice %arg5[%add3A_219] : memref<25690112xf32, #tpu.memory_space<hbm>> -> memref<1568xf32, #tpu.memory_space<hbm>>
        %dma_start3A_224 = tpu.memref_slice %arg5[%add3A_219] : memref<25690112xf32, #tpu.memory_space<hbm>> -> memref<1568xf32, #tpu.memory_space<hbm>>
        %dma_start3A_225 = tpu.memref_slice %arg9[%add3A_221] : memref<50176xf32, #tpu.memory_space<vmem>> -> memref<1568xf32, #tpu.memory_space<vmem>>
        tpu.enqueue_dma source(%dma_start3A_225 : memref<1568xf32, #tpu.memory_space<vmem>>) target(%dma_start3A_224 : memref<1568xf32, #tpu.memory_space<hbm>>) target_semaphore(%arg10 : memref<!tpu.dma_semaphore, #tpu.memory_space<semaphore_mem>>)
        %mul3A_226 = arith.constant 64 : i32
        %mul3A_227 = arith.muli %select_n3A, %mul3A_226 : i32
        %mul3A_228 = arith.constant 16 : i32
        %mul3A_229 = arith.muli %scan3A_39, %mul3A_228 : i32
        %add3A_230 = arith.addi %mul3A_227, %mul3A_229 : i32
        %add3A_231 = arith.constant 8 : i32
        %add3A_232 = arith.addi %add3A_230, %add3A_231 : i32
        %mul3A_233 = arith.constant 50176 : i32
        %mul3A_234 = arith.muli %add3A_232, %mul3A_233 : i32
        %add3A_235 = arith.addi %mul3A_234, %add3A_98 : i32
        %add3A_236 = arith.constant 12544 : i32
        %add3A_237 = arith.addi %mul3A_87, %add3A_236 : i32
        %dma_start3A_238 = tpu.memref_slice %arg9[%add3A_237] : memref<50176xf32, #tpu.memory_space<vmem>> -> memref<1568xf32, #tpu.memory_space<vmem>>
        %dma_start3A_239 = tpu.memref_slice %arg5[%add3A_235] : memref<25690112xf32, #tpu.memory_space<hbm>> -> memref<1568xf32, #tpu.memory_space<hbm>>
        %dma_start3A_240 = tpu.memref_slice %arg5[%add3A_235] : memref<25690112xf32, #tpu.memory_space<hbm>> -> memref<1568xf32, #tpu.memory_space<hbm>>
        %dma_start3A_241 = tpu.memref_slice %arg9[%add3A_237] : memref<50176xf32, #tpu.memory_space<vmem>> -> memref<1568xf32, #tpu.memory_space<vmem>>
        tpu.enqueue_dma source(%dma_start3A_241 : memref<1568xf32, #tpu.memory_space<vmem>>) target(%dma_start3A_240 : memref<1568xf32, #tpu.memory_space<hbm>>) target_semaphore(%arg10 : memref<!tpu.dma_semaphore, #tpu.memory_space<semaphore_mem>>)
        %mul3A_242 = arith.constant 64 : i32
        %mul3A_243 = arith.muli %select_n3A, %mul3A_242 : i32
        %mul3A_244 = arith.constant 16 : i32
        %mul3A_245 = arith.muli %scan3A_39, %mul3A_244 : i32
        %add3A_246 = arith.addi %mul3A_243, %mul3A_245 : i32
        %add3A_247 = arith.constant 9 : i32
        %add3A_248 = arith.addi %add3A_246, %add3A_247 : i32
        %mul3A_249 = arith.constant 50176 : i32
        %mul3A_250 = arith.muli %add3A_248, %mul3A_249 : i32
        %add3A_251 = arith.addi %mul3A_250, %add3A_98 : i32
        %add3A_252 = arith.constant 14112 : i32
        %add3A_253 = arith.addi %mul3A_87, %add3A_252 : i32
        %dma_start3A_254 = tpu.memref_slice %arg9[%add3A_253] : memref<50176xf32, #tpu.memory_space<vmem>> -> memref<1568xf32, #tpu.memory_space<vmem>>
        %dma_start3A_255 = tpu.memref_slice %arg5[%add3A_251] : memref<25690112xf32, #tpu.memory_space<hbm>> -> memref<1568xf32, #tpu.memory_space<hbm>>
        %dma_start3A_256 = tpu.memref_slice %arg5[%add3A_251] : memref<25690112xf32, #tpu.memory_space<hbm>> -> memref<1568xf32, #tpu.memory_space<hbm>>
        %dma_start3A_257 = tpu.memref_slice %arg9[%add3A_253] : memref<50176xf32, #tpu.memory_space<vmem>> -> memref<1568xf32, #tpu.memory_space<vmem>>
        tpu.enqueue_dma source(%dma_start3A_257 : memref<1568xf32, #tpu.memory_space<vmem>>) target(%dma_start3A_256 : memref<1568xf32, #tpu.memory_space<hbm>>) target_semaphore(%arg10 : memref<!tpu.dma_semaphore, #tpu.memory_space<semaphore_mem>>)
        %mul3A_258 = arith.constant 64 : i32
        %mul3A_259 = arith.muli %select_n3A, %mul3A_258 : i32
        %mul3A_260 = arith.constant 16 : i32
        %mul3A_261 = arith.muli %scan3A_39, %mul3A_260 : i32
        %add3A_262 = arith.addi %mul3A_259, %mul3A_261 : i32
        %add3A_263 = arith.constant 10 : i32
        %add3A_264 = arith.addi %add3A_262, %add3A_263 : i32
        %mul3A_265 = arith.constant 50176 : i32
        %mul3A_266 = arith.muli %add3A_264, %mul3A_265 : i32
        %add3A_267 = arith.addi %mul3A_266, %add3A_98 : i32
        %add3A_268 = arith.constant 15680 : i32
        %add3A_269 = arith.addi %mul3A_87, %add3A_268 : i32
        %dma_start3A_270 = tpu.memref_slice %arg9[%add3A_269] : memref<50176xf32, #tpu.memory_space<vmem>> -> memref<1568xf32, #tpu.memory_space<vmem>>
        %dma_start3A_271 = tpu.memref_slice %arg5[%add3A_267] : memref<25690112xf32, #tpu.memory_space<hbm>> -> memref<1568xf32, #tpu.memory_space<hbm>>
        %dma_start3A_272 = tpu.memref_slice %arg5[%add3A_267] : memref<25690112xf32, #tpu.memory_space<hbm>> -> memref<1568xf32, #tpu.memory_space<hbm>>
        %dma_start3A_273 = tpu.memref_slice %arg9[%add3A_269] : memref<50176xf32, #tpu.memory_space<vmem>> -> memref<1568xf32, #tpu.memory_space<vmem>>
        tpu.enqueue_dma source(%dma_start3A_273 : memref<1568xf32, #tpu.memory_space<vmem>>) target(%dma_start3A_272 : memref<1568xf32, #tpu.memory_space<hbm>>) target_semaphore(%arg10 : memref<!tpu.dma_semaphore, #tpu.memory_space<semaphore_mem>>)
        %mul3A_274 = arith.constant 64 : i32
        %mul3A_275 = arith.muli %select_n3A, %mul3A_274 : i32
        %mul3A_276 = arith.constant 16 : i32
        %mul3A_277 = arith.muli %scan3A_39, %mul3A_276 : i32
        %add3A_278 = arith.addi %mul3A_275, %mul3A_277 : i32
        %add3A_279 = arith.constant 11 : i32
        %add3A_280 = arith.addi %add3A_278, %add3A_279 : i32
        %mul3A_281 = arith.constant 50176 : i32
        %mul3A_282 = arith.muli %add3A_280, %mul3A_281 : i32
        %add3A_283 = arith.addi %mul3A_282, %add3A_98 : i32
        %add3A_284 = arith.constant 17248 : i32
        %add3A_285 = arith.addi %mul3A_87, %add3A_284 : i32
        %dma_start3A_286 = tpu.memref_slice %arg9[%add3A_285] : memref<50176xf32, #tpu.memory_space<vmem>> -> memref<1568xf32, #tpu.memory_space<vmem>>
        %dma_start3A_287 = tpu.memref_slice %arg5[%add3A_283] : memref<25690112xf32, #tpu.memory_space<hbm>> -> memref<1568xf32, #tpu.memory_space<hbm>>
        %dma_start3A_288 = tpu.memref_slice %arg5[%add3A_283] : memref<25690112xf32, #tpu.memory_space<hbm>> -> memref<1568xf32, #tpu.memory_space<hbm>>
        %dma_start3A_289 = tpu.memref_slice %arg9[%add3A_285] : memref<50176xf32, #tpu.memory_space<vmem>> -> memref<1568xf32, #tpu.memory_space<vmem>>
        tpu.enqueue_dma source(%dma_start3A_289 : memref<1568xf32, #tpu.memory_space<vmem>>) target(%dma_start3A_288 : memref<1568xf32, #tpu.memory_space<hbm>>) target_semaphore(%arg10 : memref<!tpu.dma_semaphore, #tpu.memory_space<semaphore_mem>>)
        %mul3A_290 = arith.constant 64 : i32
        %mul3A_291 = arith.muli %select_n3A, %mul3A_290 : i32
        %mul3A_292 = arith.constant 16 : i32
        %mul3A_293 = arith.muli %scan3A_39, %mul3A_292 : i32
        %add3A_294 = arith.addi %mul3A_291, %mul3A_293 : i32
        %add3A_295 = arith.constant 12 : i32
        %add3A_296 = arith.addi %add3A_294, %add3A_295 : i32
        %mul3A_297 = arith.constant 50176 : i32
        %mul3A_298 = arith.muli %add3A_296, %mul3A_297 : i32
        %add3A_299 = arith.addi %mul3A_298, %add3A_98 : i32
        %add3A_300 = arith.constant 18816 : i32
        %add3A_301 = arith.addi %mul3A_87, %add3A_300 : i32
        %dma_start3A_302 = tpu.memref_slice %arg9[%add3A_301] : memref<50176xf32, #tpu.memory_space<vmem>> -> memref<1568xf32, #tpu.memory_space<vmem>>
        %dma_start3A_303 = tpu.memref_slice %arg5[%add3A_299] : memref<25690112xf32, #tpu.memory_space<hbm>> -> memref<1568xf32, #tpu.memory_space<hbm>>
        %dma_start3A_304 = tpu.memref_slice %arg5[%add3A_299] : memref<25690112xf32, #tpu.memory_space<hbm>> -> memref<1568xf32, #tpu.memory_space<hbm>>
        %dma_start3A_305 = tpu.memref_slice %arg9[%add3A_301] : memref<50176xf32, #tpu.memory_space<vmem>> -> memref<1568xf32, #tpu.memory_space<vmem>>
        tpu.enqueue_dma source(%dma_start3A_305 : memref<1568xf32, #tpu.memory_space<vmem>>) target(%dma_start3A_304 : memref<1568xf32, #tpu.memory_space<hbm>>) target_semaphore(%arg10 : memref<!tpu.dma_semaphore, #tpu.memory_space<semaphore_mem>>)
        %mul3A_306 = arith.constant 64 : i32
        %mul3A_307 = arith.muli %select_n3A, %mul3A_306 : i32
        %mul3A_308 = arith.constant 16 : i32
        %mul3A_309 = arith.muli %scan3A_39, %mul3A_308 : i32
        %add3A_310 = arith.addi %mul3A_307, %mul3A_309 : i32
        %add3A_311 = arith.constant 13 : i32
        %add3A_312 = arith.addi %add3A_310, %add3A_311 : i32
        %mul3A_313 = arith.constant 50176 : i32
        %mul3A_314 = arith.muli %add3A_312, %mul3A_313 : i32
        %add3A_315 = arith.addi %mul3A_314, %add3A_98 : i32
        %add3A_316 = arith.constant 20384 : i32
        %add3A_317 = arith.addi %mul3A_87, %add3A_316 : i32
        %dma_start3A_318 = tpu.memref_slice %arg9[%add3A_317] : memref<50176xf32, #tpu.memory_space<vmem>> -> memref<1568xf32, #tpu.memory_space<vmem>>
        %dma_start3A_319 = tpu.memref_slice %arg5[%add3A_315] : memref<25690112xf32, #tpu.memory_space<hbm>> -> memref<1568xf32, #tpu.memory_space<hbm>>
        %dma_start3A_320 = tpu.memref_slice %arg5[%add3A_315] : memref<25690112xf32, #tpu.memory_space<hbm>> -> memref<1568xf32, #tpu.memory_space<hbm>>
        %dma_start3A_321 = tpu.memref_slice %arg9[%add3A_317] : memref<50176xf32, #tpu.memory_space<vmem>> -> memref<1568xf32, #tpu.memory_space<vmem>>
        tpu.enqueue_dma source(%dma_start3A_321 : memref<1568xf32, #tpu.memory_space<vmem>>) target(%dma_start3A_320 : memref<1568xf32, #tpu.memory_space<hbm>>) target_semaphore(%arg10 : memref<!tpu.dma_semaphore, #tpu.memory_space<semaphore_mem>>)
        %mul3A_322 = arith.constant 64 : i32
        %mul3A_323 = arith.muli %select_n3A, %mul3A_322 : i32
        %mul3A_324 = arith.constant 16 : i32
        %mul3A_325 = arith.muli %scan3A_39, %mul3A_324 : i32
        %add3A_326 = arith.addi %mul3A_323, %mul3A_325 : i32
        %add3A_327 = arith.constant 14 : i32
        %add3A_328 = arith.addi %add3A_326, %add3A_327 : i32
        %mul3A_329 = arith.constant 50176 : i32
        %mul3A_330 = arith.muli %add3A_328, %mul3A_329 : i32
        %add3A_331 = arith.addi %mul3A_330, %add3A_98 : i32
        %add3A_332 = arith.constant 21952 : i32
        %add3A_333 = arith.addi %mul3A_87, %add3A_332 : i32
        %dma_start3A_334 = tpu.memref_slice %arg9[%add3A_333] : memref<50176xf32, #tpu.memory_space<vmem>> -> memref<1568xf32, #tpu.memory_space<vmem>>
        %dma_start3A_335 = tpu.memref_slice %arg5[%add3A_331] : memref<25690112xf32, #tpu.memory_space<hbm>> -> memref<1568xf32, #tpu.memory_space<hbm>>
        %dma_start3A_336 = tpu.memref_slice %arg5[%add3A_331] : memref<25690112xf32, #tpu.memory_space<hbm>> -> memref<1568xf32, #tpu.memory_space<hbm>>
        %dma_start3A_337 = tpu.memref_slice %arg9[%add3A_333] : memref<50176xf32, #tpu.memory_space<vmem>> -> memref<1568xf32, #tpu.memory_space<vmem>>
        tpu.enqueue_dma source(%dma_start3A_337 : memref<1568xf32, #tpu.memory_space<vmem>>) target(%dma_start3A_336 : memref<1568xf32, #tpu.memory_space<hbm>>) target_semaphore(%arg10 : memref<!tpu.dma_semaphore, #tpu.memory_space<semaphore_mem>>)
        %mul3A_338 = arith.constant 64 : i32
        %mul3A_339 = arith.muli %select_n3A, %mul3A_338 : i32
        %mul3A_340 = arith.constant 16 : i32
        %mul3A_341 = arith.muli %scan3A_39, %mul3A_340 : i32
        %add3A_342 = arith.addi %mul3A_339, %mul3A_341 : i32
        %add3A_343 = arith.constant 15 : i32
        %add3A_344 = arith.addi %add3A_342, %add3A_343 : i32
        %mul3A_345 = arith.constant 50176 : i32
        %mul3A_346 = arith.muli %add3A_344, %mul3A_345 : i32
        %add3A_347 = arith.addi %mul3A_346, %add3A_98 : i32
        %add3A_348 = arith.constant 23520 : i32
        %add3A_349 = arith.addi %mul3A_87, %add3A_348 : i32
        %dma_start3A_350 = tpu.memref_slice %arg9[%add3A_349] : memref<50176xf32, #tpu.memory_space<vmem>> -> memref<1568xf32, #tpu.memory_space<vmem>>
        %dma_start3A_351 = tpu.memref_slice %arg5[%add3A_347] : memref<25690112xf32, #tpu.memory_space<hbm>> -> memref<1568xf32, #tpu.memory_space<hbm>>
        %dma_start3A_352 = tpu.memref_slice %arg5[%add3A_347] : memref<25690112xf32, #tpu.memory_space<hbm>> -> memref<1568xf32, #tpu.memory_space<hbm>>
        %dma_start3A_353 = tpu.memref_slice %arg9[%add3A_349] : memref<50176xf32, #tpu.memory_space<vmem>> -> memref<1568xf32, #tpu.memory_space<vmem>>
        tpu.enqueue_dma source(%dma_start3A_353 : memref<1568xf32, #tpu.memory_space<vmem>>) target(%dma_start3A_352 : memref<1568xf32, #tpu.memory_space<hbm>>) target_semaphore(%arg10 : memref<!tpu.dma_semaphore, #tpu.memory_space<semaphore_mem>>)
        %scan3A_354 = arith.constant 0 : i32
        scf.yield %scan3A_354 : i32
      }
      %scan3A_51 = arith.constant 8 : i32
      %dma_wait3A = arith.constant 0 : i32
      %dma_wait3A_52 = tpu.memref_slice %arg9[%dma_wait3A] : memref<50176xf32, #tpu.memory_space<vmem>> -> memref<25088xf32, #tpu.memory_space<vmem>>
      %dma_wait3A_53 = arith.constant 0 : i32
      %dma_wait3A_54 = tpu.memref_slice %arg5[%dma_wait3A_53] : memref<25690112xf32, #tpu.memory_space<hbm>> -> memref<25088xf32, #tpu.memory_space<hbm>>
      %dma_wait3A_55 = arith.constant 0 : i32
      %dma_wait3A_56 = tpu.memref_slice %arg9[%dma_wait3A_55] : memref<50176xf32, #tpu.memory_space<vmem>> -> memref<25088xf32, #tpu.memory_space<vmem>>
      %dma_wait3A_57 = arith.constant 0 : i32
      %dma_wait3A_58 = tpu.memref_slice %arg5[%dma_wait3A_57] : memref<25690112xf32, #tpu.memory_space<hbm>> -> memref<25088xf32, #tpu.memory_space<hbm>>
      tpu.wait_dma2 semaphore(%arg10 : memref<!tpu.dma_semaphore, #tpu.memory_space<semaphore_mem>>) src(%dma_wait3A_58 : memref<25088xf32, #tpu.memory_space<hbm>>) dst(%dma_wait3A_56 : memref<25088xf32, #tpu.memory_space<vmem>>)
      %dma_wait3A_59 = arith.constant 0 : i32
      %dma_wait3A_60 = tpu.memref_slice %arg9[%dma_wait3A_59] : memref<50176xf32, #tpu.memory_space<vmem>> -> memref<25088xf32, #tpu.memory_space<vmem>>
      %dma_wait3A_61 = arith.constant 0 : i32
      %dma_wait3A_62 = tpu.memref_slice %arg5[%dma_wait3A_61] : memref<25690112xf32, #tpu.memory_space<hbm>> -> memref<25088xf32, #tpu.memory_space<hbm>>
      %dma_wait3A_63 = arith.constant 0 : i32
      %dma_wait3A_64 = tpu.memref_slice %arg9[%dma_wait3A_63] : memref<50176xf32, #tpu.memory_space<vmem>> -> memref<25088xf32, #tpu.memory_space<vmem>>
      %dma_wait3A_65 = arith.constant 0 : i32
      %dma_wait3A_66 = tpu.memref_slice %arg5[%dma_wait3A_65] : memref<25690112xf32, #tpu.memory_space<hbm>> -> memref<25088xf32, #tpu.memory_space<hbm>>
      tpu.wait_dma2 semaphore(%arg10 : memref<!tpu.dma_semaphore, #tpu.memory_space<semaphore_mem>>) src(%dma_wait3A_66 : memref<25088xf32, #tpu.memory_space<hbm>>) dst(%dma_wait3A_64 : memref<25088xf32, #tpu.memory_space<vmem>>)
      %scan3A_67 = arith.constant 0 : i32
      scf.yield %scan3A_67 : i32
    }
    %scan3A_38 = arith.constant 4 : i32
    return
  }
}

#map = affine_map<(d0, d1) -> (0)>
module attributes {stable_mosaic.version = 14 : i64} {
  func.func @_body(%arg0: i32, %arg1: i32, %arg2: memref<401408xf32, #tpu.memory_space<hbm>>, %arg3: memref<401408xf32, #tpu.memory_space<hbm>>, %arg4: memref<135168xf32, #tpu.memory_space<hbm>>, %arg5: memref<25690112xf32, #tpu.memory_space<hbm>>, %arg6: memref<33792xf32, #tpu.memory_space<vmem>>, %arg7: memref<1568xf32, #tpu.memory_space<vmem>>, %arg8: memref<1568xf32, #tpu.memory_space<vmem>>, %arg9: memref<50176xf32, #tpu.memory_space<vmem>>, %arg10: memref<!tpu.dma_semaphore, #tpu.memory_space<semaphore_mem>>) attributes {dimension_semantics = [#tpu.dimension_semantics<core_parallel>, #tpu.dimension_semantics<subcore_parallel>], iteration_bounds = array<i64: 2, 16>, scalar_prefetch = 0 : i64, scratch_operands = 5 : i64, tpu.core_type = #tpu.core_type<sc_vector_subcore>, window_params = [{transform_indices = #map}, {transform_indices = #map}, {transform_indices = #map}, {transform_indices = #map}]} {
    %mul3A = arith.constant 2 : i32
    %mul3A_0 = arith.muli %arg1, %mul3A : i32
    %add3A = arith.addi %mul3A_0, %arg0 : i32
    %jit3A = arith.constant 4 : i32
    %div3A = arith.divsi %add3A, %jit3A : i32
    %sign3A = arith.constant 0 : i32
    %sign3A_1 = arith.cmpi sgt, %add3A, %sign3A : i32
    %sign3A_2 = arith.extui %sign3A_1 : i1 to i32
    %sign3A_3 = arith.constant 0 : i32
    %sign3A_4 = arith.cmpi slt, %add3A, %sign3A_3 : i32
    %sign3A_5 = arith.extui %sign3A_4 : i1 to i32
    %sign3A_6 = arith.subi %sign3A_2, %sign3A_5 : i32
    %sign3A_7 = arith.constant 0 : i32
    %sign3A_8 = arith.cmpi sgt, %jit3A, %sign3A_7 : i32
    %sign3A_9 = arith.extui %sign3A_8 : i1 to i32
    %sign3A_10 = arith.constant 0 : i32
    %sign3A_11 = arith.cmpi slt, %jit3A, %sign3A_10 : i32
    %sign3A_12 = arith.extui %sign3A_11 : i1 to i32
    %sign3A_13 = arith.subi %sign3A_9, %sign3A_12 : i32
    %ne3A = arith.cmpi ne, %sign3A_6, %sign3A_13 : i32
    %rem3A = arith.remsi %add3A, %jit3A : i32
    %ne3A_14 = arith.constant 0 : i32
    %ne3A_15 = arith.cmpi ne, %rem3A, %ne3A_14 : i32
    %and3A = arith.andi %ne3A, %ne3A_15 : i1
    %sub3A = arith.constant 1 : i32
    %sub3A_16 = arith.subi %div3A, %sub3A : i32
    %select_n3A = arith.select %and3A, %sub3A_16, %div3A : i32
    %jit3A_17 = arith.constant 4 : i32
    %eq3A = arith.constant 0 : i32
    %eq3A_18 = arith.cmpi eq, %jit3A_17, %eq3A : i32
    %jit3A_19 = arith.constant 1 : i32
    %select_n3A_20 = arith.select %eq3A_18, %jit3A_19, %jit3A_17 : i32
    %rem3A_21 = arith.remsi %add3A, %select_n3A_20 : i32
    %ne3A_22 = arith.constant 0 : i32
    %ne3A_23 = arith.cmpi ne, %rem3A_21, %ne3A_22 : i32
    %lt3A = arith.constant 0 : i32
    %lt3A_24 = arith.cmpi slt, %rem3A_21, %lt3A : i32
    %lt3A_25 = arith.constant 0 : i32
    %lt3A_26 = arith.cmpi slt, %select_n3A_20, %lt3A_25 : i32
    %ne3A_27 = arith.xori %lt3A_24, %lt3A_26 : i1
    %and3A_28 = arith.andi %ne3A_27, %ne3A_23 : i1
    %add3A_29 = arith.addi %rem3A_21, %select_n3A_20 : i32
    %select_n3A_30 = arith.select %and3A_28, %add3A_29, %rem3A_21 : i32
    %mul3A_31 = arith.constant 12544 : i32
    %mul3A_32 = arith.muli %select_n3A_30, %mul3A_31 : i32
    %scan3A = arith.constant 0 : i32
    %scan3A_33 = arith.constant 0 : i32
    %scan3A_34 = arith.constant 4 : i32
    %scan3A_35 = arith.addi %scan3A_33, %scan3A_34 : i32
    %scan3A_36 = arith.constant 1 : i32
    %scan3A_37 = scf.for %scan3A_39 = %scan3A_33 to %scan3A_35 step %scan3A_36 iter_args(%scan3A_40 = %scan3A) -> (i32)  : i32 {
      %mul3A_41 = arith.constant 16 : i32
      %mul3A_42 = arith.muli %scan3A_39, %mul3A_41 : i32
      %mul3A_43 = arith.constant 2112 : i32
      %mul3A_44 = arith.muli %mul3A_42, %mul3A_43 : i32
      "tpu.region"() ({
        %run_scoped3A = tpu.sem_alloc : memref<!tpu.dma_semaphore, #tpu.memory_space<semaphore_mem>>
        %dma_start3A = tpu.memref_slice %arg4[%mul3A_44] : memref<135168xf32, #tpu.memory_space<hbm>> -> memref<33792xf32, #tpu.memory_space<hbm>>
        %dma_start3A_68 = tpu.memref_slice %arg4[%mul3A_44] : memref<135168xf32, #tpu.memory_space<hbm>> -> memref<33792xf32, #tpu.memory_space<hbm>>
        tpu.enqueue_dma source(%dma_start3A_68 : memref<33792xf32, #tpu.memory_space<hbm>>) target(%arg6 : memref<33792xf32, #tpu.memory_space<vmem>>) target_semaphore(%run_scoped3A : memref<!tpu.dma_semaphore, #tpu.memory_space<semaphore_mem>>)
        %dma_wait3A_69 = tpu.memref_slice %arg4[%mul3A_44] : memref<135168xf32, #tpu.memory_space<hbm>> -> memref<33792xf32, #tpu.memory_space<hbm>>
        %dma_wait3A_70 = tpu.memref_slice %arg4[%mul3A_44] : memref<135168xf32, #tpu.memory_space<hbm>> -> memref<33792xf32, #tpu.memory_space<hbm>>
        tpu.wait_dma2 semaphore(%run_scoped3A : memref<!tpu.dma_semaphore, #tpu.memory_space<semaphore_mem>>) src(%dma_wait3A_70 : memref<33792xf32, #tpu.memory_space<hbm>>) dst(%arg6 : memref<33792xf32, #tpu.memory_space<vmem>>)
        tpu.yield
      }) : () -> ()
      %scan3A_45 = arith.constant 0 : i32
      %scan3A_46 = arith.constant 0 : i32
      %scan3A_47 = arith.constant 8 : i32
      %scan3A_48 = arith.addi %scan3A_46, %scan3A_47 : i32
      %scan3A_49 = arith.constant 1 : i32
      %scan3A_50 = scf.for %scan3A_68 = %scan3A_46 to %scan3A_48 step %scan3A_49 iter_args(%scan3A_69 = %scan3A_45) -> (i32)  : i32 {
        %jit3A_70 = arith.constant 2 : i32
        %eq3A_71 = arith.constant 0 : i32
        %eq3A_72 = arith.cmpi eq, %jit3A_70, %eq3A_71 : i32
        %jit3A_73 = arith.constant 1 : i32
        %select_n3A_74 = arith.select %eq3A_72, %jit3A_73, %jit3A_70 : i32
        %rem3A_75 = arith.remsi %scan3A_68, %select_n3A_74 : i32
        %ne3A_76 = arith.constant 0 : i32
        %ne3A_77 = arith.cmpi ne, %rem3A_75, %ne3A_76 : i32
        %lt3A_78 = arith.constant 0 : i32
        %lt3A_79 = arith.cmpi slt, %rem3A_75, %lt3A_78 : i32
        %lt3A_80 = arith.constant 0 : i32
        %lt3A_81 = arith.cmpi slt, %select_n3A_74, %lt3A_80 : i32
        %ne3A_82 = arith.xori %lt3A_79, %lt3A_81 : i1
        %and3A_83 = arith.andi %ne3A_82, %ne3A_77 : i1
        %add3A_84 = arith.addi %rem3A_75, %select_n3A_74 : i32
        %select_n3A_85 = arith.select %and3A_83, %add3A_84, %rem3A_75 : i32
        %mul3A_86 = arith.constant 25088 : i32
        %mul3A_87 = arith.muli %select_n3A_85, %mul3A_86 : i32
        %mul3A_88 = arith.constant 50176 : i32
        %mul3A_89 = arith.muli %select_n3A, %mul3A_88 : i32
        %add3A_90 = arith.addi %mul3A_89, %mul3A_32 : i32
        %mul3A_91 = arith.constant 1568 : i32
        %mul3A_92 = arith.muli %scan3A_68, %mul3A_91 : i32
        %add3A_93 = arith.addi %add3A_90, %mul3A_92 : i32
        %ge3A = arith.constant 2 : i32
        %ge3A_94 = arith.cmpi sge, %scan3A_68, %ge3A : i32
        %convert_element_type3A = arith.extui %ge3A_94 : i1 to i32
        %cond3A = arith.constant 0 : i32
        %cond3A_95 = arith.cmpi ne, %convert_element_type3A, %cond3A : i32
        scf.if %cond3A_95 {
          %dma_wait3A_355 = tpu.memref_slice %arg9[%mul3A_87] : memref<50176xf32, #tpu.memory_space<vmem>> -> memref<25088xf32, #tpu.memory_space<vmem>>
          %dma_wait3A_356 = arith.constant 0 : i32
          %dma_wait3A_357 = tpu.memref_slice %arg5[%dma_wait3A_356] : memref<25690112xf32, #tpu.memory_space<hbm>> -> memref<25088xf32, #tpu.memory_space<hbm>>
          %dma_wait3A_358 = tpu.memref_slice %arg9[%mul3A_87] : memref<50176xf32, #tpu.memory_space<vmem>> -> memref<25088xf32, #tpu.memory_space<vmem>>
          %dma_wait3A_359 = arith.constant 0 : i32
          %dma_wait3A_360 = tpu.memref_slice %arg5[%dma_wait3A_359] : memref<25690112xf32, #tpu.memory_space<hbm>> -> memref<25088xf32, #tpu.memory_space<hbm>>
          tpu.wait_dma2 semaphore(%arg10 : memref<!tpu.dma_semaphore, #tpu.memory_space<semaphore_mem>>) src(%dma_wait3A_360 : memref<25088xf32, #tpu.memory_space<hbm>>) dst(%dma_wait3A_358 : memref<25088xf32, #tpu.memory_space<vmem>>)
        } else {
        }
        "tpu.region"() ({
          %run_scoped3A = tpu.sem_alloc : memref<!tpu.dma_semaphore, #tpu.memory_space<semaphore_mem>>
          %dma_start3A_355 = tpu.memref_slice %arg2[%add3A_93] : memref<401408xf32, #tpu.memory_space<hbm>> -> memref<1568xf32, #tpu.memory_space<hbm>>
          %dma_start3A_356 = tpu.memref_slice %arg2[%add3A_93] : memref<401408xf32, #tpu.memory_space<hbm>> -> memref<1568xf32, #tpu.memory_space<hbm>>
          tpu.enqueue_dma source(%dma_start3A_356 : memref<1568xf32, #tpu.memory_space<hbm>>) target(%arg7 : memref<1568xf32, #tpu.memory_space<vmem>>) target_semaphore(%run_scoped3A : memref<!tpu.dma_semaphore, #tpu.memory_space<semaphore_mem>>)
          %dma_wait3A_357 = tpu.memref_slice %arg2[%add3A_93] : memref<401408xf32, #tpu.memory_space<hbm>> -> memref<1568xf32, #tpu.memory_space<hbm>>
          %dma_wait3A_358 = tpu.memref_slice %arg2[%add3A_93] : memref<401408xf32, #tpu.memory_space<hbm>> -> memref<1568xf32, #tpu.memory_space<hbm>>
          tpu.wait_dma2 semaphore(%run_scoped3A : memref<!tpu.dma_semaphore, #tpu.memory_space<semaphore_mem>>) src(%dma_wait3A_358 : memref<1568xf32, #tpu.memory_space<hbm>>) dst(%arg7 : memref<1568xf32, #tpu.memory_space<vmem>>)
          tpu.yield
        }) : () -> ()
        "tpu.region"() ({
          %run_scoped3A = tpu.sem_alloc : memref<!tpu.dma_semaphore, #tpu.memory_space<semaphore_mem>>
          %dma_start3A_355 = tpu.memref_slice %arg3[%add3A_93] : memref<401408xf32, #tpu.memory_space<hbm>> -> memref<1568xf32, #tpu.memory_space<hbm>>
          %dma_start3A_356 = tpu.memref_slice %arg3[%add3A_93] : memref<401408xf32, #tpu.memory_space<hbm>> -> memref<1568xf32, #tpu.memory_space<hbm>>
          tpu.enqueue_dma source(%dma_start3A_356 : memref<1568xf32, #tpu.memory_space<hbm>>) target(%arg8 : memref<1568xf32, #tpu.memory_space<vmem>>) target_semaphore(%run_scoped3A : memref<!tpu.dma_semaphore, #tpu.memory_space<semaphore_mem>>)
          %dma_wait3A_357 = tpu.memref_slice %arg3[%add3A_93] : memref<401408xf32, #tpu.memory_space<hbm>> -> memref<1568xf32, #tpu.memory_space<hbm>>
          %dma_wait3A_358 = tpu.memref_slice %arg3[%add3A_93] : memref<401408xf32, #tpu.memory_space<hbm>> -> memref<1568xf32, #tpu.memory_space<hbm>>
          tpu.wait_dma2 semaphore(%run_scoped3A : memref<!tpu.dma_semaphore, #tpu.memory_space<semaphore_mem>>) src(%dma_wait3A_358 : memref<1568xf32, #tpu.memory_space<hbm>>) dst(%arg8 : memref<1568xf32, #tpu.memory_space<vmem>>)
          tpu.yield
        }) : () -> ()
        %mul3A_96 = arith.constant 1568 : i32
        %mul3A_97 = arith.muli %scan3A_68, %mul3A_96 : i32
        %add3A_98 = arith.addi %mul3A_32, %mul3A_97 : i32
        %mul3A_99 = arith.constant 64 : i32
        %mul3A_100 = arith.muli %select_n3A, %mul3A_99 : i32
        %mul3A_101 = arith.constant 16 : i32
        %mul3A_102 = arith.muli %scan3A_39, %mul3A_101 : i32
        %add3A_103 = arith.addi %mul3A_100, %mul3A_102 : i32
        %add3A_104 = arith.constant 0 : i32
        %add3A_105 = arith.addi %add3A_103, %add3A_104 : i32
        %mul3A_106 = arith.constant 50176 : i32
        %mul3A_107 = arith.muli %add3A_105, %mul3A_106 : i32
        %add3A_108 = arith.addi %mul3A_107, %add3A_98 : i32
        %add3A_109 = arith.constant 0 : i32
        %add3A_110 = arith.addi %mul3A_87, %add3A_109 : i32
        %dma_start3A = tpu.memref_slice %arg9[%add3A_110] : memref<50176xf32, #tpu.memory_space<vmem>> -> memref<1568xf32, #tpu.memory_space<vmem>>
        %dma_start3A_111 = tpu.memref_slice %arg5[%add3A_108] : memref<25690112xf32, #tpu.memory_space<hbm>> -> memref<1568xf32, #tpu.memory_space<hbm>>
        %dma_start3A_112 = tpu.memref_slice %arg5[%add3A_108] : memref<25690112xf32, #tpu.memory_space<hbm>> -> memref<1568xf32, #tpu.memory_space<hbm>>
        %dma_start3A_113 = tpu.memref_slice %arg9[%add3A_110] : memref<50176xf32, #tpu.memory_space<vmem>> -> memref<1568xf32, #tpu.memory_space<vmem>>
        tpu.enqueue_dma source(%dma_start3A_113 : memref<1568xf32, #tpu.memory_space<vmem>>) target(%dma_start3A_112 : memref<1568xf32, #tpu.memory_space<hbm>>) target_semaphore(%arg10 : memref<!tpu.dma_semaphore, #tpu.memory_space<semaphore_mem>>)
        %mul3A_114 = arith.constant 64 : i32
        %mul3A_115 = arith.muli %select_n3A, %mul3A_114 : i32
        %mul3A_116 = arith.constant 16 : i32
        %mul3A_117 = arith.muli %scan3A_39, %mul3A_116 : i32
        %add3A_118 = arith.addi %mul3A_115, %mul3A_117 : i32
        %add3A_119 = arith.constant 1 : i32
        %add3A_120 = arith.addi %add3A_118, %add3A_119 : i32
        %mul3A_121 = arith.constant 50176 : i32
        %mul3A_122 = arith.muli %add3A_120, %mul3A_121 : i32
        %add3A_123 = arith.addi %mul3A_122, %add3A_98 : i32
        %add3A_124 = arith.constant 1568 : i32
        %add3A_125 = arith.addi %mul3A_87, %add3A_124 : i32
        %dma_start3A_126 = tpu.memref_slice %arg9[%add3A_125] : memref<50176xf32, #tpu.memory_space<vmem>> -> memref<1568xf32, #tpu.memory_space<vmem>>
        %dma_start3A_127 = tpu.memref_slice %arg5[%add3A_123] : memref<25690112xf32, #tpu.memory_space<hbm>> -> memref<1568xf32, #tpu.memory_space<hbm>>
        %dma_start3A_128 = tpu.memref_slice %arg5[%add3A_123] : memref<25690112xf32, #tpu.memory_space<hbm>> -> memref<1568xf32, #tpu.memory_space<hbm>>
        %dma_start3A_129 = tpu.memref_slice %arg9[%add3A_125] : memref<50176xf32, #tpu.memory_space<vmem>> -> memref<1568xf32, #tpu.memory_space<vmem>>
        tpu.enqueue_dma source(%dma_start3A_129 : memref<1568xf32, #tpu.memory_space<vmem>>) target(%dma_start3A_128 : memref<1568xf32, #tpu.memory_space<hbm>>) target_semaphore(%arg10 : memref<!tpu.dma_semaphore, #tpu.memory_space<semaphore_mem>>)
        %mul3A_130 = arith.constant 64 : i32
        %mul3A_131 = arith.muli %select_n3A, %mul3A_130 : i32
        %mul3A_132 = arith.constant 16 : i32
        %mul3A_133 = arith.muli %scan3A_39, %mul3A_132 : i32
        %add3A_134 = arith.addi %mul3A_131, %mul3A_133 : i32
        %add3A_135 = arith.constant 2 : i32
        %add3A_136 = arith.addi %add3A_134, %add3A_135 : i32
        %mul3A_137 = arith.constant 50176 : i32
        %mul3A_138 = arith.muli %add3A_136, %mul3A_137 : i32
        %add3A_139 = arith.addi %mul3A_138, %add3A_98 : i32
        %add3A_140 = arith.constant 3136 : i32
        %add3A_141 = arith.addi %mul3A_87, %add3A_140 : i32
        %dma_start3A_142 = tpu.memref_slice %arg9[%add3A_141] : memref<50176xf32, #tpu.memory_space<vmem>> -> memref<1568xf32, #tpu.memory_space<vmem>>
        %dma_start3A_143 = tpu.memref_slice %arg5[%add3A_139] : memref<25690112xf32, #tpu.memory_space<hbm>> -> memref<1568xf32, #tpu.memory_space<hbm>>
        %dma_start3A_144 = tpu.memref_slice %arg5[%add3A_139] : memref<25690112xf32, #tpu.memory_space<hbm>> -> memref<1568xf32, #tpu.memory_space<hbm>>
        %dma_start3A_145 = tpu.memref_slice %arg9[%add3A_141] : memref<50176xf32, #tpu.memory_space<vmem>> -> memref<1568xf32, #tpu.memory_space<vmem>>
        tpu.enqueue_dma source(%dma_start3A_145 : memref<1568xf32, #tpu.memory_space<vmem>>) target(%dma_start3A_144 : memref<1568xf32, #tpu.memory_space<hbm>>) target_semaphore(%arg10 : memref<!tpu.dma_semaphore, #tpu.memory_space<semaphore_mem>>)
        %mul3A_146 = arith.constant 64 : i32
        %mul3A_147 = arith.muli %select_n3A, %mul3A_146 : i32
        %mul3A_148 = arith.constant 16 : i32
        %mul3A_149 = arith.muli %scan3A_39, %mul3A_148 : i32
        %add3A_150 = arith.addi %mul3A_147, %mul3A_149 : i32
        %add3A_151 = arith.constant 3 : i32
        %add3A_152 = arith.addi %add3A_150, %add3A_151 : i32
        %mul3A_153 = arith.constant 50176 : i32
        %mul3A_154 = arith.muli %add3A_152, %mul3A_153 : i32
        %add3A_155 = arith.addi %mul3A_154, %add3A_98 : i32
        %add3A_156 = arith.constant 4704 : i32
        %add3A_157 = arith.addi %mul3A_87, %add3A_156 : i32
        %dma_start3A_158 = tpu.memref_slice %arg9[%add3A_157] : memref<50176xf32, #tpu.memory_space<vmem>> -> memref<1568xf32, #tpu.memory_space<vmem>>
        %dma_start3A_159 = tpu.memref_slice %arg5[%add3A_155] : memref<25690112xf32, #tpu.memory_space<hbm>> -> memref<1568xf32, #tpu.memory_space<hbm>>
        %dma_start3A_160 = tpu.memref_slice %arg5[%add3A_155] : memref<25690112xf32, #tpu.memory_space<hbm>> -> memref<1568xf32, #tpu.memory_space<hbm>>
        %dma_start3A_161 = tpu.memref_slice %arg9[%add3A_157] : memref<50176xf32, #tpu.memory_space<vmem>> -> memref<1568xf32, #tpu.memory_space<vmem>>
        tpu.enqueue_dma source(%dma_start3A_161 : memref<1568xf32, #tpu.memory_space<vmem>>) target(%dma_start3A_160 : memref<1568xf32, #tpu.memory_space<hbm>>) target_semaphore(%arg10 : memref<!tpu.dma_semaphore, #tpu.memory_space<semaphore_mem>>)
        %mul3A_162 = arith.constant 64 : i32
        %mul3A_163 = arith.muli %select_n3A, %mul3A_162 : i32
        %mul3A_164 = arith.constant 16 : i32
        %mul3A_165 = arith.muli %scan3A_39, %mul3A_164 : i32
        %add3A_166 = arith.addi %mul3A_163, %mul3A_165 : i32
        %add3A_167 = arith.constant 4 : i32
        %add3A_168 = arith.addi %add3A_166, %add3A_167 : i32
        %mul3A_169 = arith.constant 50176 : i32
        %mul3A_170 = arith.muli %add3A_168, %mul3A_169 : i32
        %add3A_171 = arith.addi %mul3A_170, %add3A_98 : i32
        %add3A_172 = arith.constant 6272 : i32
        %add3A_173 = arith.addi %mul3A_87, %add3A_172 : i32
        %dma_start3A_174 = tpu.memref_slice %arg9[%add3A_173] : memref<50176xf32, #tpu.memory_space<vmem>> -> memref<1568xf32, #tpu.memory_space<vmem>>
        %dma_start3A_175 = tpu.memref_slice %arg5[%add3A_171] : memref<25690112xf32, #tpu.memory_space<hbm>> -> memref<1568xf32, #tpu.memory_space<hbm>>
        %dma_start3A_176 = tpu.memref_slice %arg5[%add3A_171] : memref<25690112xf32, #tpu.memory_space<hbm>> -> memref<1568xf32, #tpu.memory_space<hbm>>
        %dma_start3A_177 = tpu.memref_slice %arg9[%add3A_173] : memref<50176xf32, #tpu.memory_space<vmem>> -> memref<1568xf32, #tpu.memory_space<vmem>>
        tpu.enqueue_dma source(%dma_start3A_177 : memref<1568xf32, #tpu.memory_space<vmem>>) target(%dma_start3A_176 : memref<1568xf32, #tpu.memory_space<hbm>>) target_semaphore(%arg10 : memref<!tpu.dma_semaphore, #tpu.memory_space<semaphore_mem>>)
        %mul3A_178 = arith.constant 64 : i32
        %mul3A_179 = arith.muli %select_n3A, %mul3A_178 : i32
        %mul3A_180 = arith.constant 16 : i32
        %mul3A_181 = arith.muli %scan3A_39, %mul3A_180 : i32
        %add3A_182 = arith.addi %mul3A_179, %mul3A_181 : i32
        %add3A_183 = arith.constant 5 : i32
        %add3A_184 = arith.addi %add3A_182, %add3A_183 : i32
        %mul3A_185 = arith.constant 50176 : i32
        %mul3A_186 = arith.muli %add3A_184, %mul3A_185 : i32
        %add3A_187 = arith.addi %mul3A_186, %add3A_98 : i32
        %add3A_188 = arith.constant 7840 : i32
        %add3A_189 = arith.addi %mul3A_87, %add3A_188 : i32
        %dma_start3A_190 = tpu.memref_slice %arg9[%add3A_189] : memref<50176xf32, #tpu.memory_space<vmem>> -> memref<1568xf32, #tpu.memory_space<vmem>>
        %dma_start3A_191 = tpu.memref_slice %arg5[%add3A_187] : memref<25690112xf32, #tpu.memory_space<hbm>> -> memref<1568xf32, #tpu.memory_space<hbm>>
        %dma_start3A_192 = tpu.memref_slice %arg5[%add3A_187] : memref<25690112xf32, #tpu.memory_space<hbm>> -> memref<1568xf32, #tpu.memory_space<hbm>>
        %dma_start3A_193 = tpu.memref_slice %arg9[%add3A_189] : memref<50176xf32, #tpu.memory_space<vmem>> -> memref<1568xf32, #tpu.memory_space<vmem>>
        tpu.enqueue_dma source(%dma_start3A_193 : memref<1568xf32, #tpu.memory_space<vmem>>) target(%dma_start3A_192 : memref<1568xf32, #tpu.memory_space<hbm>>) target_semaphore(%arg10 : memref<!tpu.dma_semaphore, #tpu.memory_space<semaphore_mem>>)
        %mul3A_194 = arith.constant 64 : i32
        %mul3A_195 = arith.muli %select_n3A, %mul3A_194 : i32
        %mul3A_196 = arith.constant 16 : i32
        %mul3A_197 = arith.muli %scan3A_39, %mul3A_196 : i32
        %add3A_198 = arith.addi %mul3A_195, %mul3A_197 : i32
        %add3A_199 = arith.constant 6 : i32
        %add3A_200 = arith.addi %add3A_198, %add3A_199 : i32
        %mul3A_201 = arith.constant 50176 : i32
        %mul3A_202 = arith.muli %add3A_200, %mul3A_201 : i32
        %add3A_203 = arith.addi %mul3A_202, %add3A_98 : i32
        %add3A_204 = arith.constant 9408 : i32
        %add3A_205 = arith.addi %mul3A_87, %add3A_204 : i32
        %dma_start3A_206 = tpu.memref_slice %arg9[%add3A_205] : memref<50176xf32, #tpu.memory_space<vmem>> -> memref<1568xf32, #tpu.memory_space<vmem>>
        %dma_start3A_207 = tpu.memref_slice %arg5[%add3A_203] : memref<25690112xf32, #tpu.memory_space<hbm>> -> memref<1568xf32, #tpu.memory_space<hbm>>
        %dma_start3A_208 = tpu.memref_slice %arg5[%add3A_203] : memref<25690112xf32, #tpu.memory_space<hbm>> -> memref<1568xf32, #tpu.memory_space<hbm>>
        %dma_start3A_209 = tpu.memref_slice %arg9[%add3A_205] : memref<50176xf32, #tpu.memory_space<vmem>> -> memref<1568xf32, #tpu.memory_space<vmem>>
        tpu.enqueue_dma source(%dma_start3A_209 : memref<1568xf32, #tpu.memory_space<vmem>>) target(%dma_start3A_208 : memref<1568xf32, #tpu.memory_space<hbm>>) target_semaphore(%arg10 : memref<!tpu.dma_semaphore, #tpu.memory_space<semaphore_mem>>)
        %mul3A_210 = arith.constant 64 : i32
        %mul3A_211 = arith.muli %select_n3A, %mul3A_210 : i32
        %mul3A_212 = arith.constant 16 : i32
        %mul3A_213 = arith.muli %scan3A_39, %mul3A_212 : i32
        %add3A_214 = arith.addi %mul3A_211, %mul3A_213 : i32
        %add3A_215 = arith.constant 7 : i32
        %add3A_216 = arith.addi %add3A_214, %add3A_215 : i32
        %mul3A_217 = arith.constant 50176 : i32
        %mul3A_218 = arith.muli %add3A_216, %mul3A_217 : i32
        %add3A_219 = arith.addi %mul3A_218, %add3A_98 : i32
        %add3A_220 = arith.constant 10976 : i32
        %add3A_221 = arith.addi %mul3A_87, %add3A_220 : i32
        %dma_start3A_222 = tpu.memref_slice %arg9[%add3A_221] : memref<50176xf32, #tpu.memory_space<vmem>> -> memref<1568xf32, #tpu.memory_space<vmem>>
        %dma_start3A_223 = tpu.memref_slice %arg5[%add3A_219] : memref<25690112xf32, #tpu.memory_space<hbm>> -> memref<1568xf32, #tpu.memory_space<hbm>>
        %dma_start3A_224 = tpu.memref_slice %arg5[%add3A_219] : memref<25690112xf32, #tpu.memory_space<hbm>> -> memref<1568xf32, #tpu.memory_space<hbm>>
        %dma_start3A_225 = tpu.memref_slice %arg9[%add3A_221] : memref<50176xf32, #tpu.memory_space<vmem>> -> memref<1568xf32, #tpu.memory_space<vmem>>
        tpu.enqueue_dma source(%dma_start3A_225 : memref<1568xf32, #tpu.memory_space<vmem>>) target(%dma_start3A_224 : memref<1568xf32, #tpu.memory_space<hbm>>) target_semaphore(%arg10 : memref<!tpu.dma_semaphore, #tpu.memory_space<semaphore_mem>>)
        %mul3A_226 = arith.constant 64 : i32
        %mul3A_227 = arith.muli %select_n3A, %mul3A_226 : i32
        %mul3A_228 = arith.constant 16 : i32
        %mul3A_229 = arith.muli %scan3A_39, %mul3A_228 : i32
        %add3A_230 = arith.addi %mul3A_227, %mul3A_229 : i32
        %add3A_231 = arith.constant 8 : i32
        %add3A_232 = arith.addi %add3A_230, %add3A_231 : i32
        %mul3A_233 = arith.constant 50176 : i32
        %mul3A_234 = arith.muli %add3A_232, %mul3A_233 : i32
        %add3A_235 = arith.addi %mul3A_234, %add3A_98 : i32
        %add3A_236 = arith.constant 12544 : i32
        %add3A_237 = arith.addi %mul3A_87, %add3A_236 : i32
        %dma_start3A_238 = tpu.memref_slice %arg9[%add3A_237] : memref<50176xf32, #tpu.memory_space<vmem>> -> memref<1568xf32, #tpu.memory_space<vmem>>
        %dma_start3A_239 = tpu.memref_slice %arg5[%add3A_235] : memref<25690112xf32, #tpu.memory_space<hbm>> -> memref<1568xf32, #tpu.memory_space<hbm>>
        %dma_start3A_240 = tpu.memref_slice %arg5[%add3A_235] : memref<25690112xf32, #tpu.memory_space<hbm>> -> memref<1568xf32, #tpu.memory_space<hbm>>
        %dma_start3A_241 = tpu.memref_slice %arg9[%add3A_237] : memref<50176xf32, #tpu.memory_space<vmem>> -> memref<1568xf32, #tpu.memory_space<vmem>>
        tpu.enqueue_dma source(%dma_start3A_241 : memref<1568xf32, #tpu.memory_space<vmem>>) target(%dma_start3A_240 : memref<1568xf32, #tpu.memory_space<hbm>>) target_semaphore(%arg10 : memref<!tpu.dma_semaphore, #tpu.memory_space<semaphore_mem>>)
        %mul3A_242 = arith.constant 64 : i32
        %mul3A_243 = arith.muli %select_n3A, %mul3A_242 : i32
        %mul3A_244 = arith.constant 16 : i32
        %mul3A_245 = arith.muli %scan3A_39, %mul3A_244 : i32
        %add3A_246 = arith.addi %mul3A_243, %mul3A_245 : i32
        %add3A_247 = arith.constant 9 : i32
        %add3A_248 = arith.addi %add3A_246, %add3A_247 : i32
        %mul3A_249 = arith.constant 50176 : i32
        %mul3A_250 = arith.muli %add3A_248, %mul3A_249 : i32
        %add3A_251 = arith.addi %mul3A_250, %add3A_98 : i32
        %add3A_252 = arith.constant 14112 : i32
        %add3A_253 = arith.addi %mul3A_87, %add3A_252 : i32
        %dma_start3A_254 = tpu.memref_slice %arg9[%add3A_253] : memref<50176xf32, #tpu.memory_space<vmem>> -> memref<1568xf32, #tpu.memory_space<vmem>>
        %dma_start3A_255 = tpu.memref_slice %arg5[%add3A_251] : memref<25690112xf32, #tpu.memory_space<hbm>> -> memref<1568xf32, #tpu.memory_space<hbm>>
        %dma_start3A_256 = tpu.memref_slice %arg5[%add3A_251] : memref<25690112xf32, #tpu.memory_space<hbm>> -> memref<1568xf32, #tpu.memory_space<hbm>>
        %dma_start3A_257 = tpu.memref_slice %arg9[%add3A_253] : memref<50176xf32, #tpu.memory_space<vmem>> -> memref<1568xf32, #tpu.memory_space<vmem>>
        tpu.enqueue_dma source(%dma_start3A_257 : memref<1568xf32, #tpu.memory_space<vmem>>) target(%dma_start3A_256 : memref<1568xf32, #tpu.memory_space<hbm>>) target_semaphore(%arg10 : memref<!tpu.dma_semaphore, #tpu.memory_space<semaphore_mem>>)
        %mul3A_258 = arith.constant 64 : i32
        %mul3A_259 = arith.muli %select_n3A, %mul3A_258 : i32
        %mul3A_260 = arith.constant 16 : i32
        %mul3A_261 = arith.muli %scan3A_39, %mul3A_260 : i32
        %add3A_262 = arith.addi %mul3A_259, %mul3A_261 : i32
        %add3A_263 = arith.constant 10 : i32
        %add3A_264 = arith.addi %add3A_262, %add3A_263 : i32
        %mul3A_265 = arith.constant 50176 : i32
        %mul3A_266 = arith.muli %add3A_264, %mul3A_265 : i32
        %add3A_267 = arith.addi %mul3A_266, %add3A_98 : i32
        %add3A_268 = arith.constant 15680 : i32
        %add3A_269 = arith.addi %mul3A_87, %add3A_268 : i32
        %dma_start3A_270 = tpu.memref_slice %arg9[%add3A_269] : memref<50176xf32, #tpu.memory_space<vmem>> -> memref<1568xf32, #tpu.memory_space<vmem>>
        %dma_start3A_271 = tpu.memref_slice %arg5[%add3A_267] : memref<25690112xf32, #tpu.memory_space<hbm>> -> memref<1568xf32, #tpu.memory_space<hbm>>
        %dma_start3A_272 = tpu.memref_slice %arg5[%add3A_267] : memref<25690112xf32, #tpu.memory_space<hbm>> -> memref<1568xf32, #tpu.memory_space<hbm>>
        %dma_start3A_273 = tpu.memref_slice %arg9[%add3A_269] : memref<50176xf32, #tpu.memory_space<vmem>> -> memref<1568xf32, #tpu.memory_space<vmem>>
        tpu.enqueue_dma source(%dma_start3A_273 : memref<1568xf32, #tpu.memory_space<vmem>>) target(%dma_start3A_272 : memref<1568xf32, #tpu.memory_space<hbm>>) target_semaphore(%arg10 : memref<!tpu.dma_semaphore, #tpu.memory_space<semaphore_mem>>)
        %mul3A_274 = arith.constant 64 : i32
        %mul3A_275 = arith.muli %select_n3A, %mul3A_274 : i32
        %mul3A_276 = arith.constant 16 : i32
        %mul3A_277 = arith.muli %scan3A_39, %mul3A_276 : i32
        %add3A_278 = arith.addi %mul3A_275, %mul3A_277 : i32
        %add3A_279 = arith.constant 11 : i32
        %add3A_280 = arith.addi %add3A_278, %add3A_279 : i32
        %mul3A_281 = arith.constant 50176 : i32
        %mul3A_282 = arith.muli %add3A_280, %mul3A_281 : i32
        %add3A_283 = arith.addi %mul3A_282, %add3A_98 : i32
        %add3A_284 = arith.constant 17248 : i32
        %add3A_285 = arith.addi %mul3A_87, %add3A_284 : i32
        %dma_start3A_286 = tpu.memref_slice %arg9[%add3A_285] : memref<50176xf32, #tpu.memory_space<vmem>> -> memref<1568xf32, #tpu.memory_space<vmem>>
        %dma_start3A_287 = tpu.memref_slice %arg5[%add3A_283] : memref<25690112xf32, #tpu.memory_space<hbm>> -> memref<1568xf32, #tpu.memory_space<hbm>>
        %dma_start3A_288 = tpu.memref_slice %arg5[%add3A_283] : memref<25690112xf32, #tpu.memory_space<hbm>> -> memref<1568xf32, #tpu.memory_space<hbm>>
        %dma_start3A_289 = tpu.memref_slice %arg9[%add3A_285] : memref<50176xf32, #tpu.memory_space<vmem>> -> memref<1568xf32, #tpu.memory_space<vmem>>
        tpu.enqueue_dma source(%dma_start3A_289 : memref<1568xf32, #tpu.memory_space<vmem>>) target(%dma_start3A_288 : memref<1568xf32, #tpu.memory_space<hbm>>) target_semaphore(%arg10 : memref<!tpu.dma_semaphore, #tpu.memory_space<semaphore_mem>>)
        %mul3A_290 = arith.constant 64 : i32
        %mul3A_291 = arith.muli %select_n3A, %mul3A_290 : i32
        %mul3A_292 = arith.constant 16 : i32
        %mul3A_293 = arith.muli %scan3A_39, %mul3A_292 : i32
        %add3A_294 = arith.addi %mul3A_291, %mul3A_293 : i32
        %add3A_295 = arith.constant 12 : i32
        %add3A_296 = arith.addi %add3A_294, %add3A_295 : i32
        %mul3A_297 = arith.constant 50176 : i32
        %mul3A_298 = arith.muli %add3A_296, %mul3A_297 : i32
        %add3A_299 = arith.addi %mul3A_298, %add3A_98 : i32
        %add3A_300 = arith.constant 18816 : i32
        %add3A_301 = arith.addi %mul3A_87, %add3A_300 : i32
        %dma_start3A_302 = tpu.memref_slice %arg9[%add3A_301] : memref<50176xf32, #tpu.memory_space<vmem>> -> memref<1568xf32, #tpu.memory_space<vmem>>
        %dma_start3A_303 = tpu.memref_slice %arg5[%add3A_299] : memref<25690112xf32, #tpu.memory_space<hbm>> -> memref<1568xf32, #tpu.memory_space<hbm>>
        %dma_start3A_304 = tpu.memref_slice %arg5[%add3A_299] : memref<25690112xf32, #tpu.memory_space<hbm>> -> memref<1568xf32, #tpu.memory_space<hbm>>
        %dma_start3A_305 = tpu.memref_slice %arg9[%add3A_301] : memref<50176xf32, #tpu.memory_space<vmem>> -> memref<1568xf32, #tpu.memory_space<vmem>>
        tpu.enqueue_dma source(%dma_start3A_305 : memref<1568xf32, #tpu.memory_space<vmem>>) target(%dma_start3A_304 : memref<1568xf32, #tpu.memory_space<hbm>>) target_semaphore(%arg10 : memref<!tpu.dma_semaphore, #tpu.memory_space<semaphore_mem>>)
        %mul3A_306 = arith.constant 64 : i32
        %mul3A_307 = arith.muli %select_n3A, %mul3A_306 : i32
        %mul3A_308 = arith.constant 16 : i32
        %mul3A_309 = arith.muli %scan3A_39, %mul3A_308 : i32
        %add3A_310 = arith.addi %mul3A_307, %mul3A_309 : i32
        %add3A_311 = arith.constant 13 : i32
        %add3A_312 = arith.addi %add3A_310, %add3A_311 : i32
        %mul3A_313 = arith.constant 50176 : i32
        %mul3A_314 = arith.muli %add3A_312, %mul3A_313 : i32
        %add3A_315 = arith.addi %mul3A_314, %add3A_98 : i32
        %add3A_316 = arith.constant 20384 : i32
        %add3A_317 = arith.addi %mul3A_87, %add3A_316 : i32
        %dma_start3A_318 = tpu.memref_slice %arg9[%add3A_317] : memref<50176xf32, #tpu.memory_space<vmem>> -> memref<1568xf32, #tpu.memory_space<vmem>>
        %dma_start3A_319 = tpu.memref_slice %arg5[%add3A_315] : memref<25690112xf32, #tpu.memory_space<hbm>> -> memref<1568xf32, #tpu.memory_space<hbm>>
        %dma_start3A_320 = tpu.memref_slice %arg5[%add3A_315] : memref<25690112xf32, #tpu.memory_space<hbm>> -> memref<1568xf32, #tpu.memory_space<hbm>>
        %dma_start3A_321 = tpu.memref_slice %arg9[%add3A_317] : memref<50176xf32, #tpu.memory_space<vmem>> -> memref<1568xf32, #tpu.memory_space<vmem>>
        tpu.enqueue_dma source(%dma_start3A_321 : memref<1568xf32, #tpu.memory_space<vmem>>) target(%dma_start3A_320 : memref<1568xf32, #tpu.memory_space<hbm>>) target_semaphore(%arg10 : memref<!tpu.dma_semaphore, #tpu.memory_space<semaphore_mem>>)
        %mul3A_322 = arith.constant 64 : i32
        %mul3A_323 = arith.muli %select_n3A, %mul3A_322 : i32
        %mul3A_324 = arith.constant 16 : i32
        %mul3A_325 = arith.muli %scan3A_39, %mul3A_324 : i32
        %add3A_326 = arith.addi %mul3A_323, %mul3A_325 : i32
        %add3A_327 = arith.constant 14 : i32
        %add3A_328 = arith.addi %add3A_326, %add3A_327 : i32
        %mul3A_329 = arith.constant 50176 : i32
        %mul3A_330 = arith.muli %add3A_328, %mul3A_329 : i32
        %add3A_331 = arith.addi %mul3A_330, %add3A_98 : i32
        %add3A_332 = arith.constant 21952 : i32
        %add3A_333 = arith.addi %mul3A_87, %add3A_332 : i32
        %dma_start3A_334 = tpu.memref_slice %arg9[%add3A_333] : memref<50176xf32, #tpu.memory_space<vmem>> -> memref<1568xf32, #tpu.memory_space<vmem>>
        %dma_start3A_335 = tpu.memref_slice %arg5[%add3A_331] : memref<25690112xf32, #tpu.memory_space<hbm>> -> memref<1568xf32, #tpu.memory_space<hbm>>
        %dma_start3A_336 = tpu.memref_slice %arg5[%add3A_331] : memref<25690112xf32, #tpu.memory_space<hbm>> -> memref<1568xf32, #tpu.memory_space<hbm>>
        %dma_start3A_337 = tpu.memref_slice %arg9[%add3A_333] : memref<50176xf32, #tpu.memory_space<vmem>> -> memref<1568xf32, #tpu.memory_space<vmem>>
        tpu.enqueue_dma source(%dma_start3A_337 : memref<1568xf32, #tpu.memory_space<vmem>>) target(%dma_start3A_336 : memref<1568xf32, #tpu.memory_space<hbm>>) target_semaphore(%arg10 : memref<!tpu.dma_semaphore, #tpu.memory_space<semaphore_mem>>)
        %mul3A_338 = arith.constant 64 : i32
        %mul3A_339 = arith.muli %select_n3A, %mul3A_338 : i32
        %mul3A_340 = arith.constant 16 : i32
        %mul3A_341 = arith.muli %scan3A_39, %mul3A_340 : i32
        %add3A_342 = arith.addi %mul3A_339, %mul3A_341 : i32
        %add3A_343 = arith.constant 15 : i32
        %add3A_344 = arith.addi %add3A_342, %add3A_343 : i32
        %mul3A_345 = arith.constant 50176 : i32
        %mul3A_346 = arith.muli %add3A_344, %mul3A_345 : i32
        %add3A_347 = arith.addi %mul3A_346, %add3A_98 : i32
        %add3A_348 = arith.constant 23520 : i32
        %add3A_349 = arith.addi %mul3A_87, %add3A_348 : i32
        %dma_start3A_350 = tpu.memref_slice %arg9[%add3A_349] : memref<50176xf32, #tpu.memory_space<vmem>> -> memref<1568xf32, #tpu.memory_space<vmem>>
        %dma_start3A_351 = tpu.memref_slice %arg5[%add3A_347] : memref<25690112xf32, #tpu.memory_space<hbm>> -> memref<1568xf32, #tpu.memory_space<hbm>>
        %dma_start3A_352 = tpu.memref_slice %arg5[%add3A_347] : memref<25690112xf32, #tpu.memory_space<hbm>> -> memref<1568xf32, #tpu.memory_space<hbm>>
        %dma_start3A_353 = tpu.memref_slice %arg9[%add3A_349] : memref<50176xf32, #tpu.memory_space<vmem>> -> memref<1568xf32, #tpu.memory_space<vmem>>
        tpu.enqueue_dma source(%dma_start3A_353 : memref<1568xf32, #tpu.memory_space<vmem>>) target(%dma_start3A_352 : memref<1568xf32, #tpu.memory_space<hbm>>) target_semaphore(%arg10 : memref<!tpu.dma_semaphore, #tpu.memory_space<semaphore_mem>>)
        %scan3A_354 = arith.constant 0 : i32
        scf.yield %scan3A_354 : i32
      }
      %scan3A_51 = arith.constant 8 : i32
      %dma_wait3A = arith.constant 0 : i32
      %dma_wait3A_52 = tpu.memref_slice %arg9[%dma_wait3A] : memref<50176xf32, #tpu.memory_space<vmem>> -> memref<25088xf32, #tpu.memory_space<vmem>>
      %dma_wait3A_53 = arith.constant 0 : i32
      %dma_wait3A_54 = tpu.memref_slice %arg5[%dma_wait3A_53] : memref<25690112xf32, #tpu.memory_space<hbm>> -> memref<25088xf32, #tpu.memory_space<hbm>>
      %dma_wait3A_55 = arith.constant 0 : i32
      %dma_wait3A_56 = tpu.memref_slice %arg9[%dma_wait3A_55] : memref<50176xf32, #tpu.memory_space<vmem>> -> memref<25088xf32, #tpu.memory_space<vmem>>
      %dma_wait3A_57 = arith.constant 0 : i32
      %dma_wait3A_58 = tpu.memref_slice %arg5[%dma_wait3A_57] : memref<25690112xf32, #tpu.memory_space<hbm>> -> memref<25088xf32, #tpu.memory_space<hbm>>
      tpu.wait_dma2 semaphore(%arg10 : memref<!tpu.dma_semaphore, #tpu.memory_space<semaphore_mem>>) src(%dma_wait3A_58 : memref<25088xf32, #tpu.memory_space<hbm>>) dst(%dma_wait3A_56 : memref<25088xf32, #tpu.memory_space<vmem>>)
      %dma_wait3A_59 = arith.constant 0 : i32
      %dma_wait3A_60 = tpu.memref_slice %arg9[%dma_wait3A_59] : memref<50176xf32, #tpu.memory_space<vmem>> -> memref<25088xf32, #tpu.memory_space<vmem>>
      %dma_wait3A_61 = arith.constant 0 : i32
      %dma_wait3A_62 = tpu.memref_slice %arg5[%dma_wait3A_61] : memref<25690112xf32, #tpu.memory_space<hbm>> -> memref<25088xf32, #tpu.memory_space<hbm>>
      %dma_wait3A_63 = arith.constant 0 : i32
      %dma_wait3A_64 = tpu.memref_slice %arg9[%dma_wait3A_63] : memref<50176xf32, #tpu.memory_space<vmem>> -> memref<25088xf32, #tpu.memory_space<vmem>>
      %dma_wait3A_65 = arith.constant 0 : i32
      %dma_wait3A_66 = tpu.memref_slice %arg5[%dma_wait3A_65] : memref<25690112xf32, #tpu.memory_space<hbm>> -> memref<25088xf32, #tpu.memory_space<hbm>>
      tpu.wait_dma2 semaphore(%arg10 : memref<!tpu.dma_semaphore, #tpu.memory_space<semaphore_mem>>) src(%dma_wait3A_66 : memref<25088xf32, #tpu.memory_space<hbm>>) dst(%dma_wait3A_64 : memref<25088xf32, #tpu.memory_space<vmem>>)
      %scan3A_67 = arith.constant 0 : i32
      scf.yield %scan3A_67 : i32
    }
    %scan3A_38 = arith.constant 4 : i32
    return
  }
}

</mosaic_0001>

<sc_bundles>
// kernel: _run.4.cloned.1.call-start
scs
__scs_entry_jumppad:
0x0: {  	(pc) =	sbr.rel $0x88, $3  }
0x1: {  	(tag) =	ssettag $0x0;
	lr =	simm.s32 $0x1  }
0x2: {  	[smem:$0x3F9F] =	sst lr;
	_ =	strace $0xD0000000  }
0x3: {  	_ = 	snop  }
0x4: {  	_ = 	snop  }
0x5: {  	_ = 	snop  }
0x6: {  	_ = 	snop  }
0x7: {  	_ = 	snop  }
__scs_overlays_trampoline_lowered:
0x8: {  	[smem:$0x3FAE] =	sst s0  }
0x9: {  	[smem:$0x3FAF] =	sst s1  }
0xa: {  	[smem:$0x3FB0] =	sst s2  }
0xb: {  	[smem:$0x3FB1] =	sst s3  }
0xc: {  	[smem:$0x3FB2] =	sst s4  }
0xd: {  	[smem:$0x3FB3] =	sst s5  }
0xe: {  	[smem:$0x3FB4] =	sst s6  }
0xf: {  	[smem:$0x3FB5] =	sst s7  }
0x10: {  	[smem:$0x3FB6] =	sst s8  }
0x11: {  	[smem:$0x3FB7] =	sst s9;
	s0 =	simm.s32 @!p0 $0x0  }
0x12: {  	s1 =	sld [smem:$0x3F9D];
	s0 =	simm.s32 @p0 $0x1  }
0x13: {  	[smem:$0x3FB8] =	sst s0;
	s0 =	simm.s32 @!p1 $0x0  }
0x14: {  	s2 =	sld [smem:$0x3F9C];
	s0 =	simm.s32 @p1 $0x1  }
0x15: {  	[smem:$0x3FB9] =	sst s0;
	s0 =	simm.s32 @!p2 $0x0  }
0x16: {  	s3 =	sld [smem:$0x3FDB];
	s0 =	simm.s32 @p2 $0x1  }
0x17: {  	s4 =	simm.s32 $0x1BF5;
	[smem:$0x3FBB] =	sst s0  }
0x18: {  	s0 =	sld [smem:$0x3F9E];
	_ =	swait.ge [sflag:s4], $0x0  }
0x19: {  	s7 =	sld [smem:$0x3F9F]  }
0x1a: {  	s8 =	sadd.s32 $0xFFFFE003, lr  }
0x1b: {  	s9 =	sadd.s32 $0xFFFFFEF7, lr;
	s5 =	simm.s32 $0xFFFFFFFF;
	p2 =	slt.u32 s8, $0xFFFFF086  }
0x1c: {  	p1 =	slt.u32 s9, $0xF7A;
	s5 =	simm.s32 @!p2 $0x0  }
0x1d: {  	s5 =	simm.s32 @p1 $0x1;
	p0 =	seq.s32 s7, s2  }
0x1e: {  	s7 =	smul.u32 @!p0 $0xF7A, s2;
	p2 =	seq.s32 @!p0 s5, $0x0  }
0x1f: {  	s9 =	smul.u32 $0xF7A, s1;
	s8 =	simm.s32 @!p0 $0x1BF5;
	p2 =	por !p2, p0  }
0x20: {  	[sflag:s8] =	ssyncset.s32 @!p0 $0xFFFFF086;
	s6 =	sadd.s32 @!p0 s3, s7;
	s7 =	simm.s32 @!p0 $0x108  }
0x21: {  	s3 =	sadd.s32 s3, s9;
	s6 =	sadd.s32 @!p0 $0x88, s6;
	s7 =	simm.s32 @p2 $0x1082  }
0x22: {  	[simem:s7], [sflag:s8] =	dma.local @!p0 [hbm:s6], $0xF7A  }
0x23: {  	s9 =	sor.u32 $0xD0000000, s2;
	s6 =	simm.s32 $0x108;
	_ =	swait.ge @!p0 [sflag:s8], $0x0  }
0x24: {  	s3 =	sadd.s32 $0x88, s3;
	s6 =	simm.s32 @!p1 $0x1082;
	[sflag:s4] =	ssyncset.s32 $0xFFFFF086  }
0x25: {  	[simem:s6], [sflag:s4] =	dma.local [hbm:s3], $0xF7A  }
0x26: {  	[smem:$0x3F9F] =	sst s1;
	(tag) =	ssettag s2;
	_ =	strace s9  }
0x27: {  	s1 =	sld [smem:$0x3FAF]  }
0x28: {  	s2 =	sld [smem:$0x3FB0]  }
0x29: {  	s4 =	sld [smem:$0x3FB2]  }
0x2a: {  	p0 =	seq.s32 s5, $0x0;
	s5 =	sld [smem:$0x3FB3]  }
0x2b: {  	s6 =	sld [smem:$0x3FB4]  }
0x2c: {  	s7 =	sld [smem:$0x3FB5]  }
0x2d: {  	s3 =	simm.s32 $0x108;
	s8 =	sld [smem:$0x3FB6]  }
0x2e: {  	s3 =	simm.s32 @!p0 $0x1082;
	s9 =	sld [smem:$0x3FB7]  }
0x2f: {  	lr =	sadd.s32 s0, s3;
	s0 =	sld [smem:$0x3FAE]  }
0x30: {  	s3 =	sld [smem:$0x3FB1]  }
0x31: {  	[smem:$0x3FBA] =	sst s10  }
0x32: {  	s10 =	sld [smem:$0x3FB8];
	_ =	sdelay $0x3  }
0x33: {  	p0 =	seq.s32 s10, $0x1;
	s10 =	sld [smem:$0x3FBA];
	_ =	sdelay $0x3  }
0x34: {  	[smem:$0x3FBA] =	sst s10  }
0x35: {  	s10 =	sld [smem:$0x3FB9];
	_ =	sdelay $0x3  }
0x36: {  	p1 =	seq.s32 s10, $0x1;
	s10 =	sld [smem:$0x3FBA];
	_ =	sdelay $0x3  }
0x37: {  	[smem:$0x3FBA] =	sst s10  }
0x38: {  	s10 =	sld [smem:$0x3FBB]  }
0x39: {  	_ = 	snop;
	(pc) =	sbr.ind lr, $3  }
0x3a: {  	_ = 	snop  }
0x3b: {  	_ = 	snop  }
0x3c: {  	p2 =	seq.s32 s10, $0x1;
	s10 =	sld [smem:$0x3FBA]  }
0x3d: {  	_ =	shalt  }
0x3e: {  	_ =	shalt  }
0x3f: {  	_ =	shalt  }
0x40: {  	_ =	shalt  }
0x41: {  	_ =	shalt  }
0x42: {  	_ =	shalt  }
0x43: {  	_ =	shalt  }
0x44: {  	_ =	shalt  }
0x45: {  	_ =	shalt  }
0x46: {  	_ =	shalt  }
0x47: {  	_ =	shalt  }
0x48: {  	_ =	shalt  }
0x49: {  	_ =	shalt  }
0x4a: {  	_ =	shalt  }
0x4b: {  	_ =	shalt  }
0x4c: {  	_ =	shalt  }
0x4d: {  	_ =	shalt  }
0x4e: {  	_ =	shalt  }
0x4f: {  	_ =	shalt  }
0x50: {  	_ =	shalt  }
0x51: {  	_ =	shalt  }
0x52: {  	_ =	shalt  }
0x53: {  	_ =	shalt  }
0x54: {  	_ =	shalt  }
0x55: {  	_ =	shalt  }
0x56: {  	_ =	shalt  }
0x57: {  	_ =	shalt  }
0x58: {  	_ =	shalt  }
0x59: {  	_ =	shalt  }
0x5a: {  	_ =	shalt  }
0x5b: {  	_ =	shalt  }
0x5c: {  	_ =	shalt  }
0x5d: {  	_ =	shalt  }
0x5e: {  	_ =	shalt  }
0x5f: {  	_ =	shalt  }
0x60: {  	_ =	shalt  }
0x61: {  	_ =	shalt  }
0x62: {  	_ =	shalt  }
0x63: {  	_ =	shalt  }
0x64: {  	_ =	shalt  }
0x65: {  	_ =	shalt  }
0x66: {  	_ =	shalt  }
0x67: {  	_ =	shalt  }
0x68: {  	_ =	shalt  }
0x69: {  	_ =	shalt  }
0x6a: {  	_ =	shalt  }
0x6b: {  	_ =	shalt  }
0x6c: {  	_ =	shalt  }
0x6d: {  	_ =	shalt  }
0x6e: {  	_ =	shalt  }
0x6f: {  	_ =	shalt  }
0x70: {  	_ =	shalt  }
0x71: {  	_ =	shalt  }
0x72: {  	_ =	shalt  }
0x73: {  	_ =	shalt  }
0x74: {  	_ =	shalt  }
0x75: {  	_ =	shalt  }
0x76: {  	_ =	shalt  }
0x77: {  	_ =	shalt  }
0x78: {  	_ =	shalt  }
0x79: {  	_ =	shalt  }
0x7a: {  	_ =	shalt  }
0x7b: {  	_ =	shalt  }
0x7c: {  	_ =	shalt  }
0x7d: {  	_ =	shalt  }
0x7e: {  	_ =	shalt  }
0x7f: {  	_ =	shalt  }
0x80: {  	_ =	shalt  }
0x81: {  	_ =	shalt  }
0x82: {  	_ =	shalt  }
0x83: {  	_ =	shalt  }
0x84: {  	_ =	shalt  }
0x85: {  	_ =	shalt  }
0x86: {  	_ =	shalt  }
0x87: {  	_ =	shalt  }
.Lfunc_end0:
.L_simem_size_0:
called_computation_lowered:
.L_overlay_start_0:
0x88: {  	s2 =	sld [smem:$0x3FD9]  }
0x89: {  	s3 =	sld [smem:$0x3FFE];
	_ =	sdelay $0x1  }
0x8a: {  	s1 =	srdreg.scid  }
0x8b: {  	s0 =	sand.u32 $0x1, s1  }
0x8c: {  	s17 =	sshll.u32 s0, $0xA;
	s2 =	sadd.s32 s3, s2  }
0x8d: {  	s2 =	sadd.s32 s2, s17  }
0x8e: {  	[smem:$0x3FC6] =	sst s2  }
0x8f: {  	_ = 	snop  }
0x90: {  	s18 =	sld [smem:$0x3FC8]  }
0x91: {  	s4 =	sld [smem:$0x3FD0];
	(tm) =	ssettm $0x1  }
0x92: {  	s19 =	sld [smem:$0x3FFB];
	_ =	sdelay $0x3  }
0x93: {  	_ =	strace s19  }
0x94: {  	s2 =	sld [smem:$0x3FFC];
	_ =	sdelay $0x3  }
0x95: {  	_ =	strace s2  }
0x96: {  	s2 =	sld [smem:$0x3FFD];
	_ =	sdelay $0x3  }
0x97: {  	_ =	strace s2  }
0x98: {  	_ =	strace $0x8FFFFFFF  }
0x99: {  	s20 =	sld [smem:$0x3FDB];
	_ =	sdelay $0x1  }
0x9a: {  	s5 =	simm.s32 $_scs_section_size  }
0x9b: {  	s6 =	simm.s32 $_size__tile_overlayer_lowered;
	s7 =	simm.s32 $_tile_overlayer_lowered  }
0x9c: {  	s8 =	simm.s32 $0x1BFF;
	s21 =	sshll.u32 s7, $0x1;
	s5 =	sadd.s32 s5, s20  }
0x9d: {  	s22 =	simm.s32 $0x0;
	s6 =	sshll.u32 s6, $0x1;
	s7 =	sadd.s32 s21, s5  }
0x9e: {  	[timem:s22], [sflag:s8] =	dma.local [hbm:s7], s6  }
0x9f: {  	_ =	swait.ge [sflag:s8], s6  }
0xa0: {  	s6 =	ssub.s32 $0x0, s6;
	[sflag:s8] =	ssyncset.done $0x0  }
0xa1: {  	[sflag:s8] =	ssyncadd.s32 s6;
	_ =	sdelay $0x1  }
0xa2: {  	s23 =	simm.s32 $0x1B8B  }
0xa3: {  	_ =	swait.ge [sflag:s23], $0x1  }
0xa4: {  	[sflag:s23] =	ssyncset.done $0x0  }
0xa5: {  	[sflag:s23] =	ssyncadd.s32 $0xFFFFFFFF  }
0xa6: {  	s6 =	sld [smem:$0x0]  }
0xa7: {  	s7 =	sand.u32 $0xFFFFFFFE, s1  }
0xa8: {  	p0 =	sne.s32 s1, s7  }
0xa9: {  	s7 =	sshll.u32 @p0 s7, $0xE  }
0xaa: {  	s7 =	sadd.s32 @p0 $0x11B8D, s7;
	s8 =	sshll.u32 @p0 s6, $0x11  }
0xab: {  	s7 =	sor.u32 @p0 s8, s7  }
0xac: {  	[sflag:s7] =	ssyncadd.remote.s32 @p0 $0x1;
	_ =	sdelay $0x1  }
0xad: {  	s7 =	simm.s32 @p0 $0x1B8D  }
0xae: {  	_ =	swait.eq @p0 [sflag:s7], $0x1  }
0xaf: {  	[sflag:s7] =	ssyncadd.s32 @p0 $0xFFFFFFFF  }
0xb0: {  	s8 =	sshll.u32 @!p0 s1, $0xE  }
0xb1: {  	s8 =	sor.u32 @!p0 $0x4000, s8;
	s7 =	simm.s32 @!p0 $0x1B8D  }
0xb2: {  	s6 =	sshll.u32 @!p0 s6, $0x11;
	s8 =	sadd.s32 @!p0 $0x11B8D, s8;
	_ =	swait.eq @!p0 [sflag:s7], $0x1  }
0xb3: {  	s6 =	sor.u32 @!p0 s6, s8;
	[sflag:s7] =	ssyncadd.s32 @!p0 $0xFFFFFFFF  }
0xb4: {  	s25 =	simm.s32 $0x1B8E;
	s24 =	sld [smem:$0x3FFE];
	[sflag:s6] =	ssyncadd.remote.s32 @!p0 $0x1  }
0xb5: {  	s26 =	simm.s32 $execute0_lowered;
	[smem:$0x3FD2] =	sst s25  }
0xb6: {  	s7 =	sshll.u32 s26, $0x1;
	_ =	strace $0x80000049;
	[dreg:$0x1] =	wrdreg $0xFFFFFFFF  }
0xb7: {  	s28 =	simm.s32 $_size_execute0_lowered;
	s5 =	sadd.s32 s5, s7;
	[dreg:$0x0] =	wrdreg $0x0  }
0xb8: {  	s7 =	sshll.u32 s28, $0x1;
	[dreg:$0x2] =	wrdreg s5  }
0xb9: {  	[dreg:$0x3] =	wrdreg s7  }
0xba: {  	[dreg:$0x4] =	wrdreg $0xC0  }
0xbb: {  	_ =	task [dreg:s22], $0x5FFFF  }
0xbc: {  	[dreg:$0x1] =	wrdreg $0xFFFFFFFF  }
0xbd: {  	[dreg:$0x0] =	wrdreg $0x60  }
0xbe: {  	[dreg:$0x2] =	wrdreg s24  }
0xbf: {  	[dreg:$0x3] =	wrdreg s18  }
0xc0: {  	[dreg:$0x4] =	wrdreg s4  }
0xc1: {  	[dreg:$0x5] =	wrdreg $0x9  }
0xc2: {  	_ =	task.clear_ibuf [dreg:s22], $0x6FFFF;
	_ =	strace $0x90000049  }
0xc3: {  	s29 =	simm.s32 $0x9;
	_ =	strace $0x8000004B  }
0xc4: {  	_ =	swait.ge [sflag:s29], $0x1  }
0xc5: {  	[sflag:s29] =	ssyncadd.s32 $0xFFFFFFFF  }
0xc6: {  	_ =	strace $0x9000004B  }
0xc7: {  	_ =	sfence  }
0xc8: {  	s30 =	sld [smem:$0x0];
	_ =	sdelay $0x2  }
0xc9: {  	s31 =	sshll.u32 s1, $0xD;
	s1 =	sshrl.u32 s1, $0x2  }
0xca: {  	s4 =	sand.u32 $0x4000, s31;
	s1 =	sadd.s32 s1, s30  }
0xcb: {  	s0 =	sor.u32 s4, s0;
	s1 =	sshll.u32 s1, $0x11  }
0xcc: {  	s0 =	sor.u32 s1, s0  }
0xcd: {  	s0 =	sadd.s32 $0x8F2B, s0  }
0xce: {  	[sflag:s0] =	ssyncadd.remote.s32 $0x1  }
0xcf: {  	_ =	sfence.sel $0xFFFF  }
0xd0: {  	[dreg:$0x0] =	wrdreg $0xFFFFFFFF;
	(pc) =	sbr.abs _section_cstart, $3  }
0xd1: {  	[dreg:$0x1] =	wrdreg $0xFFFFFFFF  }
0xd2: {  	_ =	task.clear_ibuf [dreg:s22], $0x2FFFF;
	_ =	strace $0x9FFFFFFF  }
0xd3: {  	(tm) =	ssettm $0x7FFFFFFF  }
tec
execute0_lowered:
.L_overlay_start_1:
0x0: {  	(tag) =	ssettag $0x1  }
0x1: {  	s0 =	stileid.u32  }
0x2: {  	s2 =	rddreg [dreg:$0x0];
	s4 =	sshrl.u32 s0, $0x1  }
0x3: {  	s3 =	srdreg.scid;
	s6 =	sand.u32 $0x1, s0;
	s5 =	smul.u32 $0xC400, s4  }
0x4: {  	s1 =	rddreg [dreg:$0x1];
	s7 =	sand.u32 $0x1, s3;
	s6 =	smul.u32 $0x6200, s6  }
0x5: {  	s0 =	rddreg [dreg:$0x2];
	s3 =	simm.s32 $0x0;
	s8 =	smul.u32 $0x3100, s7  }
0x6: {  	[smem:$0x7FF] =	sst s3;
	s4 =	smul.u32 $0x310000, s4  }
0x7: {  	s7 =	ssub.s32 $0x2, s7;
	_ =	strace $0x8000004A;
	s5 =	sadd.s32 s6, s5  }
0x8: {  	s20 =	sshrl.u32 s7, $0x1;
	s4 =	sor.u32 s6, s4;
	s5 =	sadd.s32 s8, s5  }
0x9: {  	s21 =	ssub.s32 s7, s20;
	s4 =	sadd.s32 s8, s4;
	s5 =	sshrl.u32 s5, $0x3  }
0xa: {  	s22 =	sadd.s32 $0xB7C00, s4;
	s24 =	sadd.s32 $0xAB800, s4;
	s26 =	sadd.s32 $0x9F400, s4  }
0xb: {  	s29 =	sadd.s32 $0x93000, s4;
	s31 =	sadd.s32 $0x86C00, s4;
	s7 =	sadd.s32 $0x7A800, s4  }
0xc: {  	s9 =	sadd.s32 $0x6E400, s4;
	s11 =	sadd.s32 $0x62000, s4;
	s13 =	sadd.s32 $0x55C00, s4  }
0xd: {  	s15 =	sadd.s32 $0x49800, s4;
	s17 =	sadd.s32 $0x3D400, s4;
	s19 =	sadd.s32 $0x31000, s4  }
0xe: {  	s2 =	sadd.s32 s5, s2;
	s5 =	smax.u32 s21, $0x1;
	s23 =	sshrl.u32 s22, $0x3  }
0xf: {  	s30 =	sshrl.u32 s29, $0x3;
	s29 =	simm.s32 $0x6200;
	[dreg:$0x9] =	wrdreg s5  }
0x10: {  	s6 =	sshrl.u32 s31, $0x3;
	s31 =	simm.s32 $0x8A80;
	[dreg:$0x6] =	wrdreg s29  }
0x11: {  	s25 =	sshrl.u32 s24, $0x3;
	s5 =	sadd.s32 s23, s0;
	[dreg:$0x8] =	wrdreg s31  }
0x12: {  	s28 =	sshrl.u32 s26, $0x3;
	[dreg:$0xa] =	wrdreg s5;
	s5 =	sadd.s32 s25, s0  }
0x13: {  	s8 =	sshrl.u32 s7, $0x3;
	[dreg:$0xb] =	wrdreg s5;
	s5 =	sadd.s32 s28, s0  }
0x14: {  	s10 =	sshrl.u32 s9, $0x3;
	s28 =	sadd.s32 $0x329C00, s2;
	[dreg:$0xc] =	wrdreg s5  }
0x15: {  	s12 =	sshrl.u32 s11, $0x3;
	s2 =	sadd.s32 $0x336000, s2;
	[dreg:$0x4] =	wrdreg s28  }
0x16: {  	s14 =	sshrl.u32 s13, $0x3;
	s5 =	sadd.s32 s30, s0;
	[dreg:$0x5] =	wrdreg s2  }
0x17: {  	s16 =	sshrl.u32 s15, $0x3;
	s30 =	simm.s32 $0x8400;
	[dreg:$0xd] =	wrdreg s5  }
0x18: {  	s18 =	sshrl.u32 s17, $0x3;
	s5 =	sadd.s32 s6, s0;
	[dreg:$0x7] =	wrdreg s30  }
0x19: {  	s20 =	sshrl.u32 s19, $0x3;
	[dreg:$0xe] =	wrdreg s5;
	s5 =	sadd.s32 s8, s0  }
0x1a: {  	s21 =	sadd.s32 $0x24C00, s4;
	[dreg:$0xf] =	wrdreg s5;
	s5 =	sadd.s32 s10, s0  }
0x1b: {  	s22 =	sshrl.u32 s21, $0x3;
	[dreg:$0x10] =	wrdreg s5;
	s5 =	sadd.s32 s12, s0  }
0x1c: {  	s23 =	sadd.s32 $0x18800, s4;
	[dreg:$0x11] =	wrdreg s5;
	s5 =	sadd.s32 s14, s0  }
0x1d: {  	s21 =	simm.s32 $0x2;
	[dreg:$0x12] =	wrdreg s5;
	s5 =	sadd.s32 s16, s0  }
0x1e: {  	s24 =	sshrl.u32 s23, $0x3;
	[dreg:$0x13] =	wrdreg s5;
	s5 =	sadd.s32 s18, s0  }
0x1f: {  	s25 =	sadd.s32 $0xC400, s4;
	[dreg:$0x14] =	wrdreg s5;
	s5 =	sadd.s32 s20, s0  }
0x20: {  	s4 =	sshrl.u32 s4, $0x3;
	[dreg:$0x15] =	wrdreg s5;
	s5 =	sadd.s32 s22, s0  }
0x21: {  	s26 =	sshrl.u32 s25, $0x3;
	[dreg:$0x16] =	wrdreg s5;
	s5 =	sadd.s32 s24, s0  }
0x22: {  	s23 =	simm.s32 $0x0;
	[dreg:$0x17] =	wrdreg s5;
	s5 =	sadd.s32 s26, s0  }
0x23: {  	s20 =	sadd.s32 s4, s0;
	s22 =	simm.s32 $0x1;
	[dreg:$0x18] =	wrdreg s5  }
.LBB2_1:
0x24: {  	s25 =	rddreg [dreg:$0x18]  }
0x25: {  	s26 =	rddreg [dreg:$0x17]  }
0x26: {  	s28 =	rddreg [dreg:$0x16]  }
0x27: {  	s29 =	rddreg [dreg:$0x15]  }
0x28: {  	s30 =	rddreg [dreg:$0x14]  }
0x29: {  	s31 =	rddreg [dreg:$0x13]  }
0x2a: {  	s13 =	rddreg [dreg:$0x12]  }
0x2b: {  	s12 =	rddreg [dreg:$0x11]  }
0x2c: {  	s11 =	rddreg [dreg:$0x10]  }
0x2d: {  	s10 =	rddreg [dreg:$0xf]  }
0x2e: {  	s9 =	rddreg [dreg:$0xe]  }
0x2f: {  	s8 =	rddreg [dreg:$0xd]  }
0x30: {  	s7 =	rddreg [dreg:$0xc]  }
0x31: {  	s6 =	rddreg [dreg:$0xb]  }
0x32: {  	s24 =	smov.u32 s20;
	s5 =	rddreg [dreg:$0xa];
	s4 =	simm.s32 $0x0  }
.LBB2_2:
0x33: {  	s0 =	smul.u32 $0x1080, s4;
	_ =	sdelay $0x1  }
0x34: {  	s2 =	simm.s32 $0x0;
	s0 =	sadd.s32 s1, s0  }
0x35: {  	[tilespmem:s2], [sflag:$0x2] =	stream.linear.gather [hbm4b:s0+s2], $0x8400, $0x38;
	[tilespmem:$0x15500] =	vst v63  }
0x36: {  	p0 =	por $0x1, $0x1;
	_ =	swait.ge [sflag:s21], $0x8400  }
0x37: {  	p0 =	por p0, p0;
	[sflag:s21] =	ssyncset.done $0x0  }
0x38: {  	s0 =	simm.s32 @!p0 $0x1;
	[sflag:s21] =	ssyncadd.s32 $0xFFFF7C00  }
0x39: {  	s16 =	rddreg [dreg:$0x6];
	_ =	swait.ge @!p0 [sflag:s0], $0x6200  }
0x3a: {  	s14 =	rddreg [dreg:$0x5];
	[sflag:s0] =	ssyncset.done @!p0 $0x0  }
0x3b: {  	s15 =	rddreg [dreg:$0x7];
	[sflag:s0] =	ssyncadd.s32 @!p0 $0xFFFF9E00;
	s17 =	sadd.s32 $0x0, s14  }
0x3c: {  	[tilespmem:s15], [sflag:$0x2] =	stream.linear.gather [hbm4b:s17+s3], $0x620, $0x38;
	[tilespmem:$0x15500] =	vst v63  }
0x3d: {  	_ =	swait.ge [sflag:s21], $0x620  }
0x3e: {  	s2 =	sand.u32 $0x1, s2;
	s18 =	rddreg [dreg:$0x4];
	[sflag:s21] =	ssyncset.done $0x0  }
0x3f: {  	s19 =	rddreg [dreg:$0x8];
	[sflag:s21] =	ssyncadd.s32 $0xFFFFF9E0;
	s0 =	sadd.s32 $0x0, s18  }
0x40: {  	[tilespmem:s19], [sflag:$0x2] =	stream.linear.gather [hbm4b:s0+s3], $0x620, $0x38;
	[tilespmem:$0x15500] =	vst v63  }
0x41: {  	p0 =	seq.s32 s2, $0x1;
	_ =	swait.ge [sflag:s21], $0x620  }
0x42: {  	s16 =	simm.s32 @!p0 $0x0;
	[sflag:s21] =	ssyncset.done $0x0  }
0x43: {  	s2 =	sadd.s32 $0x0, s24;
	s14 =	sadd.s32 $0x9100, s16;
	[sflag:s21] =	ssyncadd.s32 $0xFFFFF9E0  }
0x44: {  	[hbm4b:s2+s3] =	stream.linear.scatter [tilespmem:s14], [sflag:$0x1], $0x620, $0x38;
	[tilespmem:$0x15500] =	vst v63  }
0x45: {  	s15 =	sadd.s32 $0x0, s25;
	s17 =	sadd.s32 $0x9720, s16  }
0x46: {  	[hbm4b:s15+s3] =	stream.linear.scatter [tilespmem:s17], [sflag:$0x1], $0x620, $0x38;
	[tilespmem:$0x15500] =	vst v63  }
0x47: {  	s18 =	sadd.s32 $0x0, s26;
	s19 =	sadd.s32 $0x9D40, s16  }
0x48: {  	[hbm4b:s18+s3] =	stream.linear.scatter [tilespmem:s19], [sflag:$0x1], $0x620, $0x38;
	[tilespmem:$0x15500] =	vst v63  }
0x49: {  	s2 =	sadd.s32 $0x0, s28;
	s14 =	sadd.s32 $0xA360, s16  }
0x4a: {  	[hbm4b:s2+s3] =	stream.linear.scatter [tilespmem:s14], [sflag:$0x1], $0x620, $0x38;
	[tilespmem:$0x15500] =	vst v63  }
0x4b: {  	s15 =	sadd.s32 $0x0, s29;
	s17 =	sadd.s32 $0xA980, s16  }
0x4c: {  	[hbm4b:s15+s3] =	stream.linear.scatter [tilespmem:s17], [sflag:$0x1], $0x620, $0x38;
	[tilespmem:$0x15500] =	vst v63  }
0x4d: {  	s18 =	sadd.s32 $0x0, s30;
	s19 =	sadd.s32 $0xAFA0, s16  }
0x4e: {  	[hbm4b:s18+s3] =	stream.linear.scatter [tilespmem:s19], [sflag:$0x1], $0x620, $0x38;
	[tilespmem:$0x15500] =	vst v63  }
0x4f: {  	s2 =	sadd.s32 $0x0, s31;
	s14 =	sadd.s32 $0xB5C0, s16  }
0x50: {  	[hbm4b:s2+s3] =	stream.linear.scatter [tilespmem:s14], [sflag:$0x1], $0x620, $0x38;
	[tilespmem:$0x15500] =	vst v63  }
0x51: {  	s15 =	sadd.s32 $0x0, s13;
	s17 =	sadd.s32 $0xBBE0, s16  }
0x52: {  	[hbm4b:s15+s3] =	stream.linear.scatter [tilespmem:s17], [sflag:$0x1], $0x620, $0x38;
	[tilespmem:$0x15500] =	vst v63  }
0x53: {  	s18 =	sadd.s32 $0x0, s12;
	s19 =	sadd.s32 $0xC200, s16  }
0x54: {  	[hbm4b:s18+s3] =	stream.linear.scatter [tilespmem:s19], [sflag:$0x1], $0x620, $0x38;
	[tilespmem:$0x15500] =	vst v63  }
0x55: {  	s2 =	sadd.s32 $0x0, s11;
	s14 =	sadd.s32 $0xC820, s16  }
0x56: {  	[hbm4b:s2+s3] =	stream.linear.scatter [tilespmem:s14], [sflag:$0x1], $0x620, $0x38;
	[tilespmem:$0x15500] =	vst v63  }
0x57: {  	p6 =	por $0x1, $0x1;
	s15 =	sadd.s32 $0x0, s10;
	s17 =	sadd.s32 $0xCE40, s16  }
0x58: {  	[hbm4b:s15+s3] =	stream.linear.scatter [tilespmem:s17], [sflag:$0x1], $0x620, $0x38;
	[tilespmem:$0x15500] =	vst v63  }
0x59: {  	p0 =	por p6, p6;
	s18 =	sadd.s32 $0x0, s9;
	s19 =	sadd.s32 $0xD460, s16  }
0x5a: {  	[hbm4b:s18+s3] =	stream.linear.scatter [tilespmem:s19], [sflag:$0x1], $0x620, $0x38;
	[tilespmem:$0x15500] =	vst v63  }
0x5b: {  	s0 =	simm.s32 $0xC4;
	s2 =	sadd.s32 $0x0, s8;
	s14 =	sadd.s32 $0xDA80, s16  }
0x5c: {  	[hbm4b:s2+s3] =	stream.linear.scatter [tilespmem:s14], [sflag:$0x1], $0x620, $0x38;
	[tilespmem:$0x15500] =	vst v63  }
0x5d: {  	s15 =	sadd.s32 $0x0, s7;
	s17 =	sadd.s32 $0xE0A0, s16;
	s18 =	sadd.s32 $0x0, s6  }
0x5e: {  	[hbm4b:s15+s3] =	stream.linear.scatter [tilespmem:s17], [sflag:$0x1], $0x620, $0x38;
	[tilespmem:$0x15500] =	vst v63  }
0x5f: {  	s19 =	sadd.s32 $0xE6C0, s16;
	s16 =	sadd.s32 $0xECE0, s16;
	s2 =	simm.s32 $0x1  }
0x60: {  	[hbm4b:s18+s3] =	stream.linear.scatter [tilespmem:s19], [sflag:$0x1], $0x620, $0x38;
	[tilespmem:$0x15500] =	vst v63  }
0x61: {  	s14 =	simm.s32 $0x188;
	s15 =	simm.s32 $0x2;
	s18 =	sadd.s32 $0x0, s5  }
.LBB2_3:
0x62: {  	[hbm4b:s18+s3] =	stream.linear.scatter [tilespmem:s16], [sflag:$0x1], $0x620, $0x38;
	[tilespmem:$0x15500] =	vst v63  }
0x63: {  	s18 =	simm.s32 @!p0 $0x1  }
0x64: {  	s17 =	rddreg [dreg:$0x6];
	_ =	swait.ge @!p0 [sflag:s18], $0x6200  }
0x65: {  	s16 =	smov.u32 s0;
	[sflag:s18] =	ssyncset.done @!p0 $0x0;
	s19 =	rddreg [dreg:$0x5]  }
0x66: {  	[sflag:s18] =	ssyncadd.s32 @!p0 $0xFFFF9E00;
	s18 =	rddreg [dreg:$0x7];
	s19 =	sadd.s32 s16, s19  }
0x67: {  	[tilespmem:s18], [sflag:$0x2] =	stream.linear.gather [hbm4b:s19+s3], $0x620, $0x38;
	[tilespmem:$0x15500] =	vst v63  }
0x68: {  	_ =	swait.ge [sflag:s21], $0x620  }
0x69: {  	s2 =	sand.u32 $0x1, s2;
	s18 =	rddreg [dreg:$0x4];
	[sflag:s21] =	ssyncset.done $0x0  }
0x6a: {  	s19 =	rddreg [dreg:$0x8];
	[sflag:s21] =	ssyncadd.s32 $0xFFFFF9E0;
	s18 =	sadd.s32 s16, s18  }
0x6b: {  	[tilespmem:s19], [sflag:$0x2] =	stream.linear.gather [hbm4b:s18+s3], $0x620, $0x38;
	[tilespmem:$0x15500] =	vst v63  }
0x6c: {  	p1 =	seq.s32 s2, $0x1;
	_ =	swait.ge [sflag:s21], $0x620  }
0x6d: {  	s17 =	simm.s32 @!p1 $0x0;
	[sflag:s21] =	ssyncset.done $0x0  }
0x6e: {  	s18 =	sadd.s32 s16, s24;
	s19 =	sadd.s32 $0x9100, s17;
	[sflag:s21] =	ssyncadd.s32 $0xFFFFF9E0  }
0x6f: {  	[hbm4b:s18+s3] =	stream.linear.scatter [tilespmem:s19], [sflag:$0x1], $0x620, $0x38;
	[tilespmem:$0x15500] =	vst v63  }
0x70: {  	s18 =	sadd.s32 s16, s25;
	s19 =	sadd.s32 $0x9720, s17  }
0x71: {  	[hbm4b:s18+s3] =	stream.linear.scatter [tilespmem:s19], [sflag:$0x1], $0x620, $0x38;
	[tilespmem:$0x15500] =	vst v63  }
0x72: {  	s18 =	sadd.s32 s16, s26;
	s19 =	sadd.s32 $0x9D40, s17  }
0x73: {  	[hbm4b:s18+s3] =	stream.linear.scatter [tilespmem:s19], [sflag:$0x1], $0x620, $0x38;
	[tilespmem:$0x15500] =	vst v63  }
0x74: {  	s18 =	sadd.s32 s16, s28;
	s19 =	sadd.s32 $0xA360, s17  }
0x75: {  	[hbm4b:s18+s3] =	stream.linear.scatter [tilespmem:s19], [sflag:$0x1], $0x620, $0x38;
	[tilespmem:$0x15500] =	vst v63  }
0x76: {  	s18 =	sadd.s32 s16, s29;
	s19 =	sadd.s32 $0xA980, s17  }
0x77: {  	[hbm4b:s18+s3] =	stream.linear.scatter [tilespmem:s19], [sflag:$0x1], $0x620, $0x38;
	[tilespmem:$0x15500] =	vst v63  }
0x78: {  	s18 =	sadd.s32 s16, s30;
	s19 =	sadd.s32 $0xAFA0, s17  }
0x79: {  	[hbm4b:s18+s3] =	stream.linear.scatter [tilespmem:s19], [sflag:$0x1], $0x620, $0x38;
	[tilespmem:$0x15500] =	vst v63  }
0x7a: {  	s18 =	sadd.s32 s16, s31;
	s19 =	sadd.s32 $0xB5C0, s17  }
0x7b: {  	[hbm4b:s18+s3] =	stream.linear.scatter [tilespmem:s19], [sflag:$0x1], $0x620, $0x38;
	[tilespmem:$0x15500] =	vst v63  }
0x7c: {  	s18 =	sadd.s32 s16, s13;
	s19 =	sadd.s32 $0xBBE0, s17  }
0x7d: {  	[hbm4b:s18+s3] =	stream.linear.scatter [tilespmem:s19], [sflag:$0x1], $0x620, $0x38;
	[tilespmem:$0x15500] =	vst v63  }
0x7e: {  	s0 =	smov.u32 s14;
	s18 =	sadd.s32 s16, s12;
	s19 =	sadd.s32 $0xC200, s17  }
0x7f: {  	[hbm4b:s18+s3] =	stream.linear.scatter [tilespmem:s19], [sflag:$0x1], $0x620, $0x38;
	[tilespmem:$0x15500] =	vst v63  }
0x80: {  	p2 =	slt.u32 s15, $0x2;
	s18 =	sadd.s32 s16, s11;
	s19 =	sadd.s32 $0xC820, s17  }
0x81: {  	[hbm4b:s18+s3] =	stream.linear.scatter [tilespmem:s19], [sflag:$0x1], $0x620, $0x38;
	[tilespmem:$0x15500] =	vst v63  }
0x82: {  	s14 =	sadd.s32 $0xC4, s14;
	s18 =	sadd.s32 s16, s10;
	s19 =	sadd.s32 $0xCE40, s17  }
0x83: {  	[hbm4b:s18+s3] =	stream.linear.scatter [tilespmem:s19], [sflag:$0x1], $0x620, $0x38;
	[tilespmem:$0x15500] =	vst v63  }
0x84: {  	s2 =	smov.u32 s15;
	s18 =	sadd.s32 s16, s9;
	s19 =	sadd.s32 $0xD460, s17  }
0x85: {  	[hbm4b:s18+s3] =	stream.linear.scatter [tilespmem:s19], [sflag:$0x1], $0x620, $0x38;
	[tilespmem:$0x15500] =	vst v63  }
0x86: {  	p1 =	sne.s32 s14, $0x620;
	s18 =	sadd.s32 s16, s8;
	s19 =	sadd.s32 $0xDA80, s17  }
0x87: {  	[hbm4b:s18+s3] =	stream.linear.scatter [tilespmem:s19], [sflag:$0x1], $0x620, $0x38;
	[tilespmem:$0x15500] =	vst v63  }
.Ltmp0:
0x88: {  	s18 =	sadd.s32 s16, s7;
	s19 =	sadd.s32 $0xE0A0, s17;
	(pc) =	sbr.rel @p1 .LBB2_3-.Ltmp0, $4  }
0x89: {  	[hbm4b:s18+s3] =	stream.linear.scatter [tilespmem:s19], [sflag:$0x1], $0x620, $0x38;
	[tilespmem:$0x15500] =	vst v63  }
0x8a: {  	s15 =	sadd.s32 $0x1, s15;
	s18 =	sadd.s32 s16, s6;
	s19 =	sadd.s32 $0xE6C0, s17  }
0x8b: {  	[hbm4b:s18+s3] =	stream.linear.scatter [tilespmem:s19], [sflag:$0x1], $0x620, $0x38;
	[tilespmem:$0x15500] =	vst v63  }
0x8c: {  	p0 =	por p2, p2;
	s18 =	sadd.s32 s16, s5;
	s16 =	sadd.s32 $0xECE0, s17  }
0x8d: {  	[hbm4b:s18+s3] =	stream.linear.scatter [tilespmem:s16], [sflag:$0x1], $0x620, $0x38;
	[tilespmem:$0x15500] =	vst v63  }
0x8e: {  	s15 =	simm.s32 @!p0 $0x1  }
0x8f: {  	s14 =	rddreg [dreg:$0x6];
	_ =	swait.ge @!p0 [sflag:s15], $0x6200  }
0x90: {  	s19 =	rddreg [dreg:$0x5];
	[sflag:s15] =	ssyncset.done @!p0 $0x0  }
0x91: {  	s17 =	rddreg [dreg:$0x7];
	[sflag:s15] =	ssyncadd.s32 @!p0 $0xFFFF9E00;
	s16 =	sadd.s32 s0, s19  }
0x92: {  	[tilespmem:s17], [sflag:$0x2] =	stream.linear.gather [hbm4b:s16+s3], $0x620, $0x38;
	[tilespmem:$0x15500] =	vst v63  }
0x93: {  	_ =	swait.ge [sflag:s21], $0x620  }
0x94: {  	s2 =	sand.u32 $0x1, s2;
	s18 =	rddreg [dreg:$0x4];
	[sflag:s21] =	ssyncset.done $0x0  }
0x95: {  	s19 =	rddreg [dreg:$0x8];
	[sflag:s21] =	ssyncadd.s32 $0xFFFFF9E0;
	s15 =	sadd.s32 s0, s18  }
0x96: {  	[tilespmem:s19], [sflag:$0x2] =	stream.linear.gather [hbm4b:s15+s3], $0x620, $0x38;
	[tilespmem:$0x15500] =	vst v63  }
0x97: {  	p0 =	seq.s32 s2, $0x1;
	_ =	swait.ge [sflag:s21], $0x620  }
0x98: {  	s14 =	simm.s32 @!p0 $0x0;
	[sflag:s21] =	ssyncset.done $0x0  }
0x99: {  	s16 =	sadd.s32 s0, s24;
	s17 =	sadd.s32 $0x9100, s14;
	[sflag:s21] =	ssyncadd.s32 $0xFFFFF9E0  }
0x9a: {  	[hbm4b:s16+s3] =	stream.linear.scatter [tilespmem:s17], [sflag:$0x1], $0x620, $0x38;
	[tilespmem:$0x15500] =	vst v63  }
0x9b: {  	s18 =	sadd.s32 s0, s25;
	s19 =	sadd.s32 $0x9720, s14  }
0x9c: {  	[hbm4b:s18+s3] =	stream.linear.scatter [tilespmem:s19], [sflag:$0x1], $0x620, $0x38;
	[tilespmem:$0x15500] =	vst v63  }
0x9d: {  	s16 =	sadd.s32 s0, s26;
	s17 =	sadd.s32 $0x9D40, s14  }
0x9e: {  	[hbm4b:s16+s3] =	stream.linear.scatter [tilespmem:s17], [sflag:$0x1], $0x620, $0x38;
	[tilespmem:$0x15500] =	vst v63  }
0x9f: {  	s18 =	sadd.s32 s0, s28;
	s19 =	sadd.s32 $0xA360, s14  }
0xa0: {  	[hbm4b:s18+s3] =	stream.linear.scatter [tilespmem:s19], [sflag:$0x1], $0x620, $0x38;
	[tilespmem:$0x15500] =	vst v63  }
0xa1: {  	s16 =	sadd.s32 s0, s29;
	s17 =	sadd.s32 $0xA980, s14  }
0xa2: {  	[hbm4b:s16+s3] =	stream.linear.scatter [tilespmem:s17], [sflag:$0x1], $0x620, $0x38;
	[tilespmem:$0x15500] =	vst v63  }
0xa3: {  	s18 =	sadd.s32 s0, s30;
	s19 =	sadd.s32 $0xAFA0, s14  }
0xa4: {  	[hbm4b:s18+s3] =	stream.linear.scatter [tilespmem:s19], [sflag:$0x1], $0x620, $0x38;
	[tilespmem:$0x15500] =	vst v63  }
0xa5: {  	s16 =	sadd.s32 s0, s31;
	s17 =	sadd.s32 $0xB5C0, s14  }
0xa6: {  	[hbm4b:s16+s3] =	stream.linear.scatter [tilespmem:s17], [sflag:$0x1], $0x620, $0x38;
	[tilespmem:$0x15500] =	vst v63  }
0xa7: {  	s18 =	sadd.s32 s0, s13;
	s19 =	sadd.s32 $0xBBE0, s14  }
0xa8: {  	[hbm4b:s18+s3] =	stream.linear.scatter [tilespmem:s19], [sflag:$0x1], $0x620, $0x38;
	[tilespmem:$0x15500] =	vst v63  }
0xa9: {  	s16 =	sadd.s32 s0, s12;
	s17 =	sadd.s32 $0xC200, s14  }
0xaa: {  	[hbm4b:s16+s3] =	stream.linear.scatter [tilespmem:s17], [sflag:$0x1], $0x620, $0x38;
	[tilespmem:$0x15500] =	vst v63  }
0xab: {  	s4 =	sadd.s32 $0x1, s4;
	s18 =	sadd.s32 s0, s11;
	s19 =	sadd.s32 $0xC820, s14  }
0xac: {  	[hbm4b:s18+s3] =	stream.linear.scatter [tilespmem:s19], [sflag:$0x1], $0x620, $0x38;
	[tilespmem:$0x15500] =	vst v63  }
0xad: {  	p0 =	sne.s32 s4, $0x4;
	s16 =	sadd.s32 s0, s10;
	s17 =	sadd.s32 $0xCE40, s14  }
0xae: {  	[hbm4b:s16+s3] =	stream.linear.scatter [tilespmem:s17], [sflag:$0x1], $0x620, $0x38;
	[tilespmem:$0x15500] =	vst v63  }
0xaf: {  	s24 =	sadd.s32 $0x18800, s24;
	s18 =	sadd.s32 s0, s9;
	s19 =	sadd.s32 $0xD460, s14  }
0xb0: {  	[hbm4b:s18+s3] =	stream.linear.scatter [tilespmem:s19], [sflag:$0x1], $0x620, $0x38;
	[tilespmem:$0x15500] =	vst v63  }
0xb1: {  	s25 =	sadd.s32 $0x18800, s25;
	s16 =	sadd.s32 s0, s8;
	s17 =	sadd.s32 $0xDA80, s14  }
0xb2: {  	[hbm4b:s16+s3] =	stream.linear.scatter [tilespmem:s17], [sflag:$0x1], $0x620, $0x38;
	[tilespmem:$0x15500] =	vst v63  }
0xb3: {  	s26 =	sadd.s32 $0x18800, s26;
	s18 =	sadd.s32 s0, s7;
	s19 =	sadd.s32 $0xE0A0, s14  }
0xb4: {  	[hbm4b:s18+s3] =	stream.linear.scatter [tilespmem:s19], [sflag:$0x1], $0x620, $0x38;
	[tilespmem:$0x15500] =	vst v63  }
0xb5: {  	s28 =	sadd.s32 $0x18800, s28;
	s16 =	sadd.s32 s0, s6;
	s17 =	sadd.s32 $0xE6C0, s14  }
0xb6: {  	[hbm4b:s16+s3] =	stream.linear.scatter [tilespmem:s17], [sflag:$0x1], $0x620, $0x38;
	[tilespmem:$0x15500] =	vst v63  }
0xb7: {  	s29 =	sadd.s32 $0x18800, s29;
	s18 =	sadd.s32 s0, s5;
	s19 =	sadd.s32 $0xECE0, s14  }
0xb8: {  	[hbm4b:s18+s3] =	stream.linear.scatter [tilespmem:s19], [sflag:$0x1], $0x620, $0x38;
	[tilespmem:$0x15500] =	vst v63  }
0xb9: {  	s30 =	sadd.s32 $0x18800, s30;
	s31 =	sadd.s32 $0x18800, s31;
	_ =	swait.ge [sflag:s22], $0x6200  }
.Ltmp1:
0xba: {  	s13 =	sadd.s32 $0x18800, s13;
	[sflag:s22] =	ssyncset.done $0x0;
	(pc) =	sbr.rel @p0 .LBB2_2-.Ltmp1, $4  }
0xbb: {  	s12 =	sadd.s32 $0x18800, s12;
	s11 =	sadd.s32 $0x18800, s11;
	[sflag:s22] =	ssyncadd.s32 $0xFFFF9E00  }
0xbc: {  	s10 =	sadd.s32 $0x18800, s10;
	s9 =	sadd.s32 $0x18800, s9;
	_ =	swait.ge [sflag:s22], $0x6200  }
0xbd: {  	s8 =	sadd.s32 $0x18800, s8;
	s7 =	sadd.s32 $0x18800, s7;
	[sflag:s22] =	ssyncset.done $0x0  }
0xbe: {  	s6 =	sadd.s32 $0x18800, s6;
	s5 =	sadd.s32 $0x18800, s5;
	[sflag:s22] =	ssyncadd.s32 $0xFFFF9E00  }
0xbf: {  	s23 =	sadd.s32 $0x1, s23;
	s0 =	rddreg [dreg:$0x9]  }
0xc0: {  	p0 =	sne.s32 s23, s0  }
.Ltmp2:
0xc1: {  	_ = 	snop;
	(pc) =	sbr.rel @p0 .LBB2_1-.Ltmp2, $1  }
0xc2: {  	_ =	sdelay $0x3  }
0xc3: {  	_ =	sfence.sel $0x180000  }
0xc4: {  	[bflag:$0x0] =	sbarrier.arrive $0xFFFF  }
0xc5: {  	_ =	strace $0x9000004A  }
0xc6: {  	s0 =	stileid.u32;
	[bflag:$0x2] =	sbarrier.arrive $0xFFFF  }
0xc7: {  	p0 =	sne.s32 s0, $0x0;
	s0 =	rddreg [dreg:$0x3]  }
0xc8: {  	s0 =	sadd.s32 @!p0 $0x100000, s0  }
0xc9: {  	[sflag:s0] =	ssyncadd.tile.s32 @!p0 $0x1;
	_ =	shalt  }
.Lfunc_end2:
_tile_overlayer_lowered:
.L_overlay_start_2:
0xca: {  	(tag) =	ssettag $0x2  }
0xcb: {  	s0 =	rddreg [dreg:$0x0];
	s2 =	stileid.u32  }
0xcc: {  	s1 =	rddreg [dreg:$0x1];
	p0 =	sne.s32 s2, $0x0  }
0xcd: {  	s3 =	rddreg [dreg:$0x2];
	[bflag:$0x3] =	sbarrier.arrive $0xFFFF;
	s2 =	simm.s32 @!p0 $0x1C02  }
0xce: {  	[timem:s3], [sflag:s2] =	dma.local @!p0 [hbm:s0], s1  }
0xcf: {  	s0 =	simm.s32 @!p0 $0x2  }
0xd0: {  	_ =	swait.ge @!p0 [sflag:s0], s1  }
0xd1: {  	s1 =	ssub.s32 @!p0 $0x0, s1;
	[sflag:s0] =	ssyncset.done @!p0 $0x0  }
0xd2: {  	[sflag:s0] =	ssyncadd.s32 @!p0 s1  }
0xd3: {  	[bflag:$0x3] =	sbarrier.arrive $0xFFFF  }
0xd4: {  	_ =	shalt  }

// kernel: _run.7.cloned.1.call-start
scs
__scs_entry_jumppad:
0x0: {  	(pc) =	sbr.rel $0x88, $3  }
0x1: {  	(tag) =	ssettag $0x0;
	lr =	simm.s32 $0x1  }
0x2: {  	[smem:$0x3F9F] =	sst lr;
	_ =	strace $0xD0000000  }
0x3: {  	_ = 	snop  }
0x4: {  	_ = 	snop  }
0x5: {  	_ = 	snop  }
0x6: {  	_ = 	snop  }
0x7: {  	_ = 	snop  }
__scs_overlays_trampoline_lowered:
0x8: {  	[smem:$0x3FAE] =	sst s0  }
0x9: {  	[smem:$0x3FAF] =	sst s1  }
0xa: {  	[smem:$0x3FB0] =	sst s2  }
0xb: {  	[smem:$0x3FB1] =	sst s3  }
0xc: {  	[smem:$0x3FB2] =	sst s4  }
0xd: {  	[smem:$0x3FB3] =	sst s5  }
0xe: {  	[smem:$0x3FB4] =	sst s6  }
0xf: {  	[smem:$0x3FB5] =	sst s7  }
0x10: {  	[smem:$0x3FB6] =	sst s8  }
0x11: {  	[smem:$0x3FB7] =	sst s9;
	s0 =	simm.s32 @!p0 $0x0  }
0x12: {  	s1 =	sld [smem:$0x3F9D];
	s0 =	simm.s32 @p0 $0x1  }
0x13: {  	[smem:$0x3FB8] =	sst s0;
	s0 =	simm.s32 @!p1 $0x0  }
0x14: {  	s2 =	sld [smem:$0x3F9C];
	s0 =	simm.s32 @p1 $0x1  }
0x15: {  	[smem:$0x3FB9] =	sst s0;
	s0 =	simm.s32 @!p2 $0x0  }
0x16: {  	s3 =	sld [smem:$0x3FDB];
	s0 =	simm.s32 @p2 $0x1  }
0x17: {  	s4 =	simm.s32 $0x1BF5;
	[smem:$0x3FBB] =	sst s0  }
0x18: {  	s0 =	sld [smem:$0x3F9E];
	_ =	swait.ge [sflag:s4], $0x0  }
0x19: {  	s7 =	sld [smem:$0x3F9F]  }
0x1a: {  	s8 =	sadd.s32 $0xFFFFE003, lr  }
0x1b: {  	s9 =	sadd.s32 $0xFFFFFEF7, lr;
	s5 =	simm.s32 $0xFFFFFFFF;
	p2 =	slt.u32 s8, $0xFFFFF086  }
0x1c: {  	p1 =	slt.u32 s9, $0xF7A;
	s5 =	simm.s32 @!p2 $0x0  }
0x1d: {  	s5 =	simm.s32 @p1 $0x1;
	p0 =	seq.s32 s7, s2  }
0x1e: {  	s7 =	smul.u32 @!p0 $0xF7A, s2;
	p2 =	seq.s32 @!p0 s5, $0x0  }
0x1f: {  	s9 =	smul.u32 $0xF7A, s1;
	s8 =	simm.s32 @!p0 $0x1BF5;
	p2 =	por !p2, p0  }
0x20: {  	[sflag:s8] =	ssyncset.s32 @!p0 $0xFFFFF086;
	s6 =	sadd.s32 @!p0 s3, s7;
	s7 =	simm.s32 @!p0 $0x108  }
0x21: {  	s3 =	sadd.s32 s3, s9;
	s6 =	sadd.s32 @!p0 $0x88, s6;
	s7 =	simm.s32 @p2 $0x1082  }
0x22: {  	[simem:s7], [sflag:s8] =	dma.local @!p0 [hbm:s6], $0xF7A  }
0x23: {  	s9 =	sor.u32 $0xD0000000, s2;
	s6 =	simm.s32 $0x108;
	_ =	swait.ge @!p0 [sflag:s8], $0x0  }
0x24: {  	s3 =	sadd.s32 $0x88, s3;
	s6 =	simm.s32 @!p1 $0x1082;
	[sflag:s4] =	ssyncset.s32 $0xFFFFF086  }
0x25: {  	[simem:s6], [sflag:s4] =	dma.local [hbm:s3], $0xF7A  }
0x26: {  	[smem:$0x3F9F] =	sst s1;
	(tag) =	ssettag s2;
	_ =	strace s9  }
0x27: {  	s1 =	sld [smem:$0x3FAF]  }
0x28: {  	s2 =	sld [smem:$0x3FB0]  }
0x29: {  	s4 =	sld [smem:$0x3FB2]  }
0x2a: {  	p0 =	seq.s32 s5, $0x0;
	s5 =	sld [smem:$0x3FB3]  }
0x2b: {  	s6 =	sld [smem:$0x3FB4]  }
0x2c: {  	s7 =	sld [smem:$0x3FB5]  }
0x2d: {  	s3 =	simm.s32 $0x108;
	s8 =	sld [smem:$0x3FB6]  }
0x2e: {  	s3 =	simm.s32 @!p0 $0x1082;
	s9 =	sld [smem:$0x3FB7]  }
0x2f: {  	lr =	sadd.s32 s0, s3;
	s0 =	sld [smem:$0x3FAE]  }
0x30: {  	s3 =	sld [smem:$0x3FB1]  }
0x31: {  	[smem:$0x3FBA] =	sst s10  }
0x32: {  	s10 =	sld [smem:$0x3FB8];
	_ =	sdelay $0x3  }
0x33: {  	p0 =	seq.s32 s10, $0x1;
	s10 =	sld [smem:$0x3FBA];
	_ =	sdelay $0x3  }
0x34: {  	[smem:$0x3FBA] =	sst s10  }
0x35: {  	s10 =	sld [smem:$0x3FB9];
	_ =	sdelay $0x3  }
0x36: {  	p1 =	seq.s32 s10, $0x1;
	s10 =	sld [smem:$0x3FBA];
	_ =	sdelay $0x3  }
0x37: {  	[smem:$0x3FBA] =	sst s10  }
0x38: {  	s10 =	sld [smem:$0x3FBB]  }
0x39: {  	_ = 	snop;
	(pc) =	sbr.ind lr, $3  }
0x3a: {  	_ = 	snop  }
0x3b: {  	_ = 	snop  }
0x3c: {  	p2 =	seq.s32 s10, $0x1;
	s10 =	sld [smem:$0x3FBA]  }
0x3d: {  	_ =	shalt  }
0x3e: {  	_ =	shalt  }
0x3f: {  	_ =	shalt  }
0x40: {  	_ =	shalt  }
0x41: {  	_ =	shalt  }
0x42: {  	_ =	shalt  }
0x43: {  	_ =	shalt  }
0x44: {  	_ =	shalt  }
0x45: {  	_ =	shalt  }
0x46: {  	_ =	shalt  }
0x47: {  	_ =	shalt  }
0x48: {  	_ =	shalt  }
0x49: {  	_ =	shalt  }
0x4a: {  	_ =	shalt  }
0x4b: {  	_ =	shalt  }
0x4c: {  	_ =	shalt  }
0x4d: {  	_ =	shalt  }
0x4e: {  	_ =	shalt  }
0x4f: {  	_ =	shalt  }
0x50: {  	_ =	shalt  }
0x51: {  	_ =	shalt  }
0x52: {  	_ =	shalt  }
0x53: {  	_ =	shalt  }
0x54: {  	_ =	shalt  }
0x55: {  	_ =	shalt  }
0x56: {  	_ =	shalt  }
0x57: {  	_ =	shalt  }
0x58: {  	_ =	shalt  }
0x59: {  	_ =	shalt  }
0x5a: {  	_ =	shalt  }
0x5b: {  	_ =	shalt  }
0x5c: {  	_ =	shalt  }
0x5d: {  	_ =	shalt  }
0x5e: {  	_ =	shalt  }
0x5f: {  	_ =	shalt  }
0x60: {  	_ =	shalt  }
0x61: {  	_ =	shalt  }
0x62: {  	_ =	shalt  }
0x63: {  	_ =	shalt  }
0x64: {  	_ =	shalt  }
0x65: {  	_ =	shalt  }
0x66: {  	_ =	shalt  }
0x67: {  	_ =	shalt  }
0x68: {  	_ =	shalt  }
0x69: {  	_ =	shalt  }
0x6a: {  	_ =	shalt  }
0x6b: {  	_ =	shalt  }
0x6c: {  	_ =	shalt  }
0x6d: {  	_ =	shalt  }
0x6e: {  	_ =	shalt  }
0x6f: {  	_ =	shalt  }
0x70: {  	_ =	shalt  }
0x71: {  	_ =	shalt  }
0x72: {  	_ =	shalt  }
0x73: {  	_ =	shalt  }
0x74: {  	_ =	shalt  }
0x75: {  	_ =	shalt  }
0x76: {  	_ =	shalt  }
0x77: {  	_ =	shalt  }
0x78: {  	_ =	shalt  }
0x79: {  	_ =	shalt  }
0x7a: {  	_ =	shalt  }
0x7b: {  	_ =	shalt  }
0x7c: {  	_ =	shalt  }
0x7d: {  	_ =	shalt  }
0x7e: {  	_ =	shalt  }
0x7f: {  	_ =	shalt  }
0x80: {  	_ =	shalt  }
0x81: {  	_ =	shalt  }
0x82: {  	_ =	shalt  }
0x83: {  	_ =	shalt  }
0x84: {  	_ =	shalt  }
0x85: {  	_ =	shalt  }
0x86: {  	_ =	shalt  }
0x87: {  	_ =	shalt  }
.Lfunc_end0:
.L_simem_size_0:
called_computation.1_lowered:
.L_overlay_start_0:
0x88: {  	s2 =	sld [smem:$0x3FD9]  }
0x89: {  	s3 =	sld [smem:$0x3FFE];
	_ =	sdelay $0x1  }
0x8a: {  	s1 =	srdreg.scid  }
0x8b: {  	s0 =	sand.u32 $0x1, s1  }
0x8c: {  	s17 =	sshll.u32 s0, $0xA;
	s2 =	sadd.s32 s3, s2  }
0x8d: {  	s2 =	sadd.s32 s2, s17  }
0x8e: {  	[smem:$0x3FC6] =	sst s2  }
0x8f: {  	_ = 	snop  }
0x90: {  	s2 =	sld [smem:$0x3FC8];
	(tm) =	ssettm $0x1  }
0x91: {  	s18 =	sld [smem:$0x3FFB];
	_ =	sdelay $0x3  }
0x92: {  	_ =	strace s18  }
0x93: {  	s3 =	sld [smem:$0x3FFC];
	_ =	sdelay $0x3  }
0x94: {  	_ =	strace s3  }
0x95: {  	s3 =	sld [smem:$0x3FFD];
	_ =	sdelay $0x3  }
0x96: {  	_ =	strace s3  }
0x97: {  	_ =	strace $0x8FFFFFFF  }
0x98: {  	s19 =	sld [smem:$0x3FDB];
	_ =	sdelay $0x1  }
0x99: {  	s4 =	simm.s32 $_scs_section_size  }
0x9a: {  	s5 =	simm.s32 $_size__tile_overlayer_lowered;
	s6 =	simm.s32 $_tile_overlayer_lowered  }
0x9b: {  	s22 =	simm.s32 $0x1BFF;
	s21 =	sshll.u32 s6, $0x1;
	s3 =	sadd.s32 s4, s19  }
0x9c: {  	s7 =	simm.s32 $0x0;
	s20 =	sshll.u32 s5, $0x1;
	s5 =	sadd.s32 s21, s3  }
0x9d: {  	[timem:s7], [sflag:s22] =	dma.local [hbm:s5], s20  }
0x9e: {  	_ =	swait.ge [sflag:s22], s20  }
0x9f: {  	s4 =	ssub.s32 $0x0, s20;
	[sflag:s22] =	ssyncset.done $0x0  }
0xa0: {  	[sflag:s22] =	ssyncadd.s32 s4;
	_ =	sdelay $0x1  }
0xa1: {  	s23 =	simm.s32 $0x1B8B  }
0xa2: {  	_ =	swait.ge [sflag:s23], $0x1  }
0xa3: {  	[sflag:s23] =	ssyncset.done $0x0  }
0xa4: {  	s25 =	simm.s32 $0x1B8E;
	s24 =	sld [smem:$0x3FFE];
	[sflag:s23] =	ssyncadd.s32 $0xFFFFFFFF  }
0xa5: {  	s26 =	simm.s32 $execute0_lowered;
	[smem:$0x3FD2] =	sst s25  }
0xa6: {  	s5 =	sshll.u32 s26, $0x1;
	_ =	strace $0x80000046;
	[dreg:$0x1] =	wrdreg $0xFFFFFFFF  }
0xa7: {  	s28 =	simm.s32 $_size_execute0_lowered;
	s3 =	sadd.s32 s3, s5;
	[dreg:$0x0] =	wrdreg $0x0  }
0xa8: {  	s5 =	sshll.u32 s28, $0x1;
	[dreg:$0x2] =	wrdreg s3  }
0xa9: {  	[dreg:$0x3] =	wrdreg s5  }
0xaa: {  	[dreg:$0x4] =	wrdreg $0xC0  }
0xab: {  	_ =	task [dreg:s7], $0x5FFFF  }
0xac: {  	[dreg:$0x1] =	wrdreg $0xFFFFFFFF  }
0xad: {  	[dreg:$0x0] =	wrdreg $0x60  }
0xae: {  	[dreg:$0x2] =	wrdreg s24  }
0xaf: {  	[dreg:$0x3] =	wrdreg s2  }
0xb0: {  	[dreg:$0x4] =	wrdreg $0xA  }
0xb1: {  	_ =	task.clear_ibuf [dreg:s7], $0x5FFFF;
	_ =	strace $0x90000046  }
0xb2: {  	s29 =	simm.s32 $0xA;
	_ =	strace $0x80000048  }
0xb3: {  	_ =	swait.ge [sflag:s29], $0x1  }
0xb4: {  	[sflag:s29] =	ssyncadd.s32 $0xFFFFFFFF  }
0xb5: {  	_ =	strace $0x90000048  }
0xb6: {  	_ =	sfence  }
0xb7: {  	s30 =	sld [smem:$0x0];
	_ =	sdelay $0x2  }
0xb8: {  	s31 =	sshll.u32 s1, $0xD;
	s1 =	sshrl.u32 s1, $0x2  }
0xb9: {  	s3 =	sand.u32 $0x4000, s31;
	s1 =	sadd.s32 s1, s30  }
0xba: {  	s0 =	sor.u32 s3, s0;
	s1 =	sshll.u32 s1, $0x11  }
0xbb: {  	s0 =	sor.u32 s1, s0  }
0xbc: {  	s0 =	sadd.s32 $0x8F2B, s0  }
0xbd: {  	[sflag:s0] =	ssyncadd.remote.s32 $0x1  }
0xbe: {  	_ =	sfence.sel $0xFFFF  }
0xbf: {  	[dreg:$0x0] =	wrdreg $0xFFFFFFFF;
	(pc) =	sbr.abs _section_cstart, $3  }
0xc0: {  	[dreg:$0x1] =	wrdreg $0xFFFFFFFF  }
0xc1: {  	_ =	task.clear_ibuf [dreg:s7], $0x2FFFF;
	_ =	strace $0x9FFFFFFF  }
0xc2: {  	(tm) =	ssettm $0x7FFFFFFF  }
0xc3: {  	_ =	shalt  }
tec
execute0_lowered:
.L_overlay_start_1:
0x0: {  	(tag) =	ssettag $0x1  }
0x1: {  	s2 =	stileid.u32  }
0x2: {  	s1 =	sshrl.u32 s2, $0x1  }
0x3: {  	s3 =	srdreg.scid;
	s5 =	sand.u32 $0x1, s2;
	s4 =	smul.u32 $0xC400, s1  }
0x4: {  	s0 =	rddreg [dreg:$0x0];
	s6 =	sand.u32 $0x1, s3;
	s5 =	smul.u32 $0x6200, s5  }
0x5: {  	s2 =	rddreg [dreg:$0x1];
	s3 =	simm.s32 $0x0;
	s7 =	smul.u32 $0x3100, s6  }
0x6: {  	[smem:$0x7FF] =	sst s3;
	s1 =	smul.u32 $0x310000, s1;
	s6 =	ssub.s32 $0x2, s6  }
0x7: {  	_ =	strace $0x80000047;
	s21 =	sshrl.u32 s6, $0x1;
	s4 =	sadd.s32 s5, s4  }
0x8: {  	s1 =	sor.u32 s5, s1;
	s5 =	ssub.s32 s6, s21;
	s4 =	sadd.s32 s7, s4  }
0x9: {  	s1 =	sadd.s32 s7, s1;
	s5 =	smax.u32 s5, $0x1;
	s4 =	sshrl.u32 s4, $0x3  }
0xa: {  	s22 =	sadd.s32 $0xB7C00, s1;
	[dreg:$0x8] =	wrdreg s5;
	s24 =	sadd.s32 $0xAB800, s1  }
0xb: {  	s26 =	sadd.s32 $0x9F400, s1;
	s29 =	sadd.s32 $0x93000, s1;
	s31 =	sadd.s32 $0x86C00, s1  }
0xc: {  	s7 =	sadd.s32 $0x7A800, s1;
	s9 =	sadd.s32 $0x6E400, s1;
	s11 =	sadd.s32 $0x62000, s1  }
0xd: {  	s13 =	sadd.s32 $0x55C00, s1;
	s15 =	sadd.s32 $0x49800, s1;
	s17 =	sadd.s32 $0x3D400, s1  }
0xe: {  	s19 =	sadd.s32 $0x31000, s1;
	s4 =	sadd.s32 s4, s0;
	s0 =	sadd.s32 $0x19C00, s0  }
0xf: {  	s23 =	sshrl.u32 s22, $0x3;
	s30 =	sshrl.u32 s29, $0x3;
	s29 =	simm.s32 $0x6200  }
0x10: {  	s6 =	sshrl.u32 s31, $0x3;
	s31 =	simm.s32 $0x8A80;
	[dreg:$0x5] =	wrdreg s29  }
0x11: {  	s25 =	sshrl.u32 s24, $0x3;
	s5 =	sadd.s32 s23, s0;
	[dreg:$0x7] =	wrdreg s31  }
0x12: {  	s28 =	sshrl.u32 s26, $0x3;
	[dreg:$0x9] =	wrdreg s5;
	s5 =	sadd.s32 s25, s0  }
0x13: {  	s21 =	sadd.s32 $0x24C00, s1;
	[dreg:$0xa] =	wrdreg s5;
	s5 =	sadd.s32 s28, s0  }
0x14: {  	s8 =	sshrl.u32 s7, $0x3;
	s28 =	sadd.s32 $0x1400, s4;
	[dreg:$0xb] =	wrdreg s5  }
0x15: {  	s10 =	sshrl.u32 s9, $0x3;
	s4 =	sadd.s32 $0xD800, s4;
	[dreg:$0x3] =	wrdreg s28  }
0x16: {  	s12 =	sshrl.u32 s11, $0x3;
	s5 =	sadd.s32 s30, s0;
	[dreg:$0x4] =	wrdreg s4  }
0x17: {  	s14 =	sshrl.u32 s13, $0x3;
	s30 =	simm.s32 $0x8400;
	[dreg:$0xc] =	wrdreg s5  }
0x18: {  	s16 =	sshrl.u32 s15, $0x3;
	s5 =	sadd.s32 s6, s0;
	[dreg:$0x6] =	wrdreg s30  }
0x19: {  	s18 =	sshrl.u32 s17, $0x3;
	[dreg:$0xd] =	wrdreg s5;
	s5 =	sadd.s32 s8, s0  }
0x1a: {  	s20 =	sshrl.u32 s19, $0x3;
	[dreg:$0xe] =	wrdreg s5;
	s5 =	sadd.s32 s10, s0  }
0x1b: {  	s22 =	sshrl.u32 s21, $0x3;
	[dreg:$0xf] =	wrdreg s5;
	s5 =	sadd.s32 s12, s0  }
0x1c: {  	s21 =	simm.s32 $0x2;
	[dreg:$0x10] =	wrdreg s5;
	s5 =	sadd.s32 s14, s0  }
0x1d: {  	s23 =	sadd.s32 $0x18800, s1;
	[dreg:$0x11] =	wrdreg s5;
	s5 =	sadd.s32 s16, s0  }
0x1e: {  	s24 =	sshrl.u32 s23, $0x3;
	[dreg:$0x12] =	wrdreg s5;
	s5 =	sadd.s32 s18, s0  }
0x1f: {  	s25 =	sadd.s32 $0xC400, s1;
	[dreg:$0x13] =	wrdreg s5;
	s5 =	sadd.s32 s20, s0  }
0x20: {  	s1 =	sshrl.u32 s1, $0x3;
	[dreg:$0x14] =	wrdreg s5;
	s5 =	sadd.s32 s22, s0  }
0x21: {  	s26 =	sshrl.u32 s25, $0x3;
	[dreg:$0x15] =	wrdreg s5;
	s5 =	sadd.s32 s24, s0  }
0x22: {  	s23 =	simm.s32 $0x0;
	[dreg:$0x16] =	wrdreg s5;
	s5 =	sadd.s32 s26, s0  }
0x23: {  	s20 =	sadd.s32 s1, s0;
	s22 =	simm.s32 $0x1;
	[dreg:$0x17] =	wrdreg s5  }
.LBB2_1:
0x24: {  	s25 =	rddreg [dreg:$0x17]  }
0x25: {  	s26 =	rddreg [dreg:$0x16]  }
0x26: {  	s28 =	rddreg [dreg:$0x15]  }
0x27: {  	s29 =	rddreg [dreg:$0x14]  }
0x28: {  	s30 =	rddreg [dreg:$0x13]  }
0x29: {  	s31 =	rddreg [dreg:$0x12]  }
0x2a: {  	s13 =	rddreg [dreg:$0x11]  }
0x2b: {  	s12 =	rddreg [dreg:$0x10]  }
0x2c: {  	s11 =	rddreg [dreg:$0xf]  }
0x2d: {  	s10 =	rddreg [dreg:$0xe]  }
0x2e: {  	s9 =	rddreg [dreg:$0xd]  }
0x2f: {  	s8 =	rddreg [dreg:$0xc]  }
0x30: {  	s7 =	rddreg [dreg:$0xb]  }
0x31: {  	s6 =	rddreg [dreg:$0xa]  }
0x32: {  	s24 =	smov.u32 s20;
	s5 =	rddreg [dreg:$0x9];
	s4 =	simm.s32 $0x0  }
.LBB2_2:
0x33: {  	s0 =	smul.u32 $0x1080, s4;
	_ =	sdelay $0x1  }
0x34: {  	s1 =	simm.s32 $0x0;
	s0 =	sadd.s32 s2, s0  }
0x35: {  	[tilespmem:s1], [sflag:$0x2] =	stream.linear.gather [hbm4b:s0+s1], $0x8400, $0x38;
	[tilespmem:$0x15500] =	vst v63  }
0x36: {  	p0 =	por $0x1, $0x1;
	_ =	swait.ge [sflag:s21], $0x8400  }
0x37: {  	p0 =	por p0, p0;
	[sflag:s21] =	ssyncset.done $0x0  }
0x38: {  	s0 =	simm.s32 @!p0 $0x1;
	[sflag:s21] =	ssyncadd.s32 $0xFFFF7C00  }
0x39: {  	s16 =	rddreg [dreg:$0x5];
	_ =	swait.ge @!p0 [sflag:s0], $0x6200  }
0x3a: {  	s14 =	rddreg [dreg:$0x4];
	[sflag:s0] =	ssyncset.done @!p0 $0x0  }
0x3b: {  	s15 =	rddreg [dreg:$0x6];
	[sflag:s0] =	ssyncadd.s32 @!p0 $0xFFFF9E00;
	s17 =	sadd.s32 $0x0, s14  }
0x3c: {  	[tilespmem:s15], [sflag:$0x2] =	stream.linear.gather [hbm4b:s17+s3], $0x620, $0x38;
	[tilespmem:$0x15500] =	vst v63  }
0x3d: {  	_ =	swait.ge [sflag:s21], $0x620  }
0x3e: {  	s1 =	sand.u32 $0x1, s1;
	s18 =	rddreg [dreg:$0x3];
	[sflag:s21] =	ssyncset.done $0x0  }
0x3f: {  	s19 =	rddreg [dreg:$0x7];
	[sflag:s21] =	ssyncadd.s32 $0xFFFFF9E0;
	s0 =	sadd.s32 $0x0, s18  }
0x40: {  	[tilespmem:s19], [sflag:$0x2] =	stream.linear.gather [hbm4b:s0+s3], $0x620, $0x38;
	[tilespmem:$0x15500] =	vst v63  }
0x41: {  	p0 =	seq.s32 s1, $0x1;
	_ =	swait.ge [sflag:s21], $0x620  }
0x42: {  	s16 =	simm.s32 @!p0 $0x0;
	[sflag:s21] =	ssyncset.done $0x0  }
0x43: {  	s1 =	sadd.s32 $0x0, s24;
	s14 =	sadd.s32 $0x9100, s16;
	[sflag:s21] =	ssyncadd.s32 $0xFFFFF9E0  }
0x44: {  	[hbm4b:s1+s3] =	stream.linear.scatter [tilespmem:s14], [sflag:$0x1], $0x620, $0x38;
	[tilespmem:$0x15500] =	vst v63  }
0x45: {  	s15 =	sadd.s32 $0x0, s25;
	s17 =	sadd.s32 $0x9720, s16  }
0x46: {  	[hbm4b:s15+s3] =	stream.linear.scatter [tilespmem:s17], [sflag:$0x1], $0x620, $0x38;
	[tilespmem:$0x15500] =	vst v63  }
0x47: {  	s18 =	sadd.s32 $0x0, s26;
	s19 =	sadd.s32 $0x9D40, s16  }
0x48: {  	[hbm4b:s18+s3] =	stream.linear.scatter [tilespmem:s19], [sflag:$0x1], $0x620, $0x38;
	[tilespmem:$0x15500] =	vst v63  }
0x49: {  	s1 =	sadd.s32 $0x0, s28;
	s14 =	sadd.s32 $0xA360, s16  }
0x4a: {  	[hbm4b:s1+s3] =	stream.linear.scatter [tilespmem:s14], [sflag:$0x1], $0x620, $0x38;
	[tilespmem:$0x15500] =	vst v63  }
0x4b: {  	s15 =	sadd.s32 $0x0, s29;
	s17 =	sadd.s32 $0xA980, s16  }
0x4c: {  	[hbm4b:s15+s3] =	stream.linear.scatter [tilespmem:s17], [sflag:$0x1], $0x620, $0x38;
	[tilespmem:$0x15500] =	vst v63  }
0x4d: {  	s18 =	sadd.s32 $0x0, s30;
	s19 =	sadd.s32 $0xAFA0, s16  }
0x4e: {  	[hbm4b:s18+s3] =	stream.linear.scatter [tilespmem:s19], [sflag:$0x1], $0x620, $0x38;
	[tilespmem:$0x15500] =	vst v63  }
0x4f: {  	s1 =	sadd.s32 $0x0, s31;
	s14 =	sadd.s32 $0xB5C0, s16  }
0x50: {  	[hbm4b:s1+s3] =	stream.linear.scatter [tilespmem:s14], [sflag:$0x1], $0x620, $0x38;
	[tilespmem:$0x15500] =	vst v63  }
0x51: {  	s15 =	sadd.s32 $0x0, s13;
	s17 =	sadd.s32 $0xBBE0, s16  }
0x52: {  	[hbm4b:s15+s3] =	stream.linear.scatter [tilespmem:s17], [sflag:$0x1], $0x620, $0x38;
	[tilespmem:$0x15500] =	vst v63  }
0x53: {  	s18 =	sadd.s32 $0x0, s12;
	s19 =	sadd.s32 $0xC200, s16  }
0x54: {  	[hbm4b:s18+s3] =	stream.linear.scatter [tilespmem:s19], [sflag:$0x1], $0x620, $0x38;
	[tilespmem:$0x15500] =	vst v63  }
0x55: {  	s1 =	sadd.s32 $0x0, s11;
	s14 =	sadd.s32 $0xC820, s16  }
0x56: {  	[hbm4b:s1+s3] =	stream.linear.scatter [tilespmem:s14], [sflag:$0x1], $0x620, $0x38;
	[tilespmem:$0x15500] =	vst v63  }
0x57: {  	p6 =	por $0x1, $0x1;
	s15 =	sadd.s32 $0x0, s10;
	s17 =	sadd.s32 $0xCE40, s16  }
0x58: {  	[hbm4b:s15+s3] =	stream.linear.scatter [tilespmem:s17], [sflag:$0x1], $0x620, $0x38;
	[tilespmem:$0x15500] =	vst v63  }
0x59: {  	p0 =	por p6, p6;
	s18 =	sadd.s32 $0x0, s9;
	s19 =	sadd.s32 $0xD460, s16  }
0x5a: {  	[hbm4b:s18+s3] =	stream.linear.scatter [tilespmem:s19], [sflag:$0x1], $0x620, $0x38;
	[tilespmem:$0x15500] =	vst v63  }
0x5b: {  	s0 =	simm.s32 $0xC4;
	s1 =	sadd.s32 $0x0, s8;
	s14 =	sadd.s32 $0xDA80, s16  }
0x5c: {  	[hbm4b:s1+s3] =	stream.linear.scatter [tilespmem:s14], [sflag:$0x1], $0x620, $0x38;
	[tilespmem:$0x15500] =	vst v63  }
0x5d: {  	s15 =	sadd.s32 $0x0, s7;
	s17 =	sadd.s32 $0xE0A0, s16;
	s18 =	sadd.s32 $0x0, s6  }
0x5e: {  	[hbm4b:s15+s3] =	stream.linear.scatter [tilespmem:s17], [sflag:$0x1], $0x620, $0x38;
	[tilespmem:$0x15500] =	vst v63  }
0x5f: {  	s19 =	sadd.s32 $0xE6C0, s16;
	s16 =	sadd.s32 $0xECE0, s16;
	s1 =	simm.s32 $0x1  }
0x60: {  	[hbm4b:s18+s3] =	stream.linear.scatter [tilespmem:s19], [sflag:$0x1], $0x620, $0x38;
	[tilespmem:$0x15500] =	vst v63  }
0x61: {  	s14 =	simm.s32 $0x188;
	s15 =	simm.s32 $0x2;
	s18 =	sadd.s32 $0x0, s5  }
.LBB2_3:
0x62: {  	[hbm4b:s18+s3] =	stream.linear.scatter [tilespmem:s16], [sflag:$0x1], $0x620, $0x38;
	[tilespmem:$0x15500] =	vst v63  }
0x63: {  	s18 =	simm.s32 @!p0 $0x1  }
0x64: {  	s17 =	rddreg [dreg:$0x5];
	_ =	swait.ge @!p0 [sflag:s18], $0x6200  }
0x65: {  	s16 =	smov.u32 s0;
	[sflag:s18] =	ssyncset.done @!p0 $0x0;
	s19 =	rddreg [dreg:$0x4]  }
0x66: {  	[sflag:s18] =	ssyncadd.s32 @!p0 $0xFFFF9E00;
	s18 =	rddreg [dreg:$0x6];
	s19 =	sadd.s32 s16, s19  }
0x67: {  	[tilespmem:s18], [sflag:$0x2] =	stream.linear.gather [hbm4b:s19+s3], $0x620, $0x38;
	[tilespmem:$0x15500] =	vst v63  }
0x68: {  	_ =	swait.ge [sflag:s21], $0x620  }
0x69: {  	s1 =	sand.u32 $0x1, s1;
	s18 =	rddreg [dreg:$0x3];
	[sflag:s21] =	ssyncset.done $0x0  }
0x6a: {  	s19 =	rddreg [dreg:$0x7];
	[sflag:s21] =	ssyncadd.s32 $0xFFFFF9E0;
	s18 =	sadd.s32 s16, s18  }
0x6b: {  	[tilespmem:s19], [sflag:$0x2] =	stream.linear.gather [hbm4b:s18+s3], $0x620, $0x38;
	[tilespmem:$0x15500] =	vst v63  }
0x6c: {  	p1 =	seq.s32 s1, $0x1;
	_ =	swait.ge [sflag:s21], $0x620  }
0x6d: {  	s17 =	simm.s32 @!p1 $0x0;
	[sflag:s21] =	ssyncset.done $0x0  }
0x6e: {  	s18 =	sadd.s32 s16, s24;
	s19 =	sadd.s32 $0x9100, s17;
	[sflag:s21] =	ssyncadd.s32 $0xFFFFF9E0  }
0x6f: {  	[hbm4b:s18+s3] =	stream.linear.scatter [tilespmem:s19], [sflag:$0x1], $0x620, $0x38;
	[tilespmem:$0x15500] =	vst v63  }
0x70: {  	s18 =	sadd.s32 s16, s25;
	s19 =	sadd.s32 $0x9720, s17  }
0x71: {  	[hbm4b:s18+s3] =	stream.linear.scatter [tilespmem:s19], [sflag:$0x1], $0x620, $0x38;
	[tilespmem:$0x15500] =	vst v63  }
0x72: {  	s18 =	sadd.s32 s16, s26;
	s19 =	sadd.s32 $0x9D40, s17  }
0x73: {  	[hbm4b:s18+s3] =	stream.linear.scatter [tilespmem:s19], [sflag:$0x1], $0x620, $0x38;
	[tilespmem:$0x15500] =	vst v63  }
0x74: {  	s18 =	sadd.s32 s16, s28;
	s19 =	sadd.s32 $0xA360, s17  }
0x75: {  	[hbm4b:s18+s3] =	stream.linear.scatter [tilespmem:s19], [sflag:$0x1], $0x620, $0x38;
	[tilespmem:$0x15500] =	vst v63  }
0x76: {  	s18 =	sadd.s32 s16, s29;
	s19 =	sadd.s32 $0xA980, s17  }
0x77: {  	[hbm4b:s18+s3] =	stream.linear.scatter [tilespmem:s19], [sflag:$0x1], $0x620, $0x38;
	[tilespmem:$0x15500] =	vst v63  }
0x78: {  	s18 =	sadd.s32 s16, s30;
	s19 =	sadd.s32 $0xAFA0, s17  }
0x79: {  	[hbm4b:s18+s3] =	stream.linear.scatter [tilespmem:s19], [sflag:$0x1], $0x620, $0x38;
	[tilespmem:$0x15500] =	vst v63  }
0x7a: {  	s18 =	sadd.s32 s16, s31;
	s19 =	sadd.s32 $0xB5C0, s17  }
0x7b: {  	[hbm4b:s18+s3] =	stream.linear.scatter [tilespmem:s19], [sflag:$0x1], $0x620, $0x38;
	[tilespmem:$0x15500] =	vst v63  }
0x7c: {  	s18 =	sadd.s32 s16, s13;
	s19 =	sadd.s32 $0xBBE0, s17  }
0x7d: {  	[hbm4b:s18+s3] =	stream.linear.scatter [tilespmem:s19], [sflag:$0x1], $0x620, $0x38;
	[tilespmem:$0x15500] =	vst v63  }
0x7e: {  	s0 =	smov.u32 s14;
	s18 =	sadd.s32 s16, s12;
	s19 =	sadd.s32 $0xC200, s17  }
0x7f: {  	[hbm4b:s18+s3] =	stream.linear.scatter [tilespmem:s19], [sflag:$0x1], $0x620, $0x38;
	[tilespmem:$0x15500] =	vst v63  }
0x80: {  	p2 =	slt.u32 s15, $0x2;
	s18 =	sadd.s32 s16, s11;
	s19 =	sadd.s32 $0xC820, s17  }
0x81: {  	[hbm4b:s18+s3] =	stream.linear.scatter [tilespmem:s19], [sflag:$0x1], $0x620, $0x38;
	[tilespmem:$0x15500] =	vst v63  }
0x82: {  	s14 =	sadd.s32 $0xC4, s14;
	s18 =	sadd.s32 s16, s10;
	s19 =	sadd.s32 $0xCE40, s17  }
0x83: {  	[hbm4b:s18+s3] =	stream.linear.scatter [tilespmem:s19], [sflag:$0x1], $0x620, $0x38;
	[tilespmem:$0x15500] =	vst v63  }
0x84: {  	s1 =	smov.u32 s15;
	s18 =	sadd.s32 s16, s9;
	s19 =	sadd.s32 $0xD460, s17  }
0x85: {  	[hbm4b:s18+s3] =	stream.linear.scatter [tilespmem:s19], [sflag:$0x1], $0x620, $0x38;
	[tilespmem:$0x15500] =	vst v63  }
0x86: {  	p1 =	sne.s32 s14, $0x620;
	s18 =	sadd.s32 s16, s8;
	s19 =	sadd.s32 $0xDA80, s17  }
0x87: {  	[hbm4b:s18+s3] =	stream.linear.scatter [tilespmem:s19], [sflag:$0x1], $0x620, $0x38;
	[tilespmem:$0x15500] =	vst v63  }
.Ltmp0:
0x88: {  	s18 =	sadd.s32 s16, s7;
	s19 =	sadd.s32 $0xE0A0, s17;
	(pc) =	sbr.rel @p1 .LBB2_3-.Ltmp0, $4  }
0x89: {  	[hbm4b:s18+s3] =	stream.linear.scatter [tilespmem:s19], [sflag:$0x1], $0x620, $0x38;
	[tilespmem:$0x15500] =	vst v63  }
0x8a: {  	s15 =	sadd.s32 $0x1, s15;
	s18 =	sadd.s32 s16, s6;
	s19 =	sadd.s32 $0xE6C0, s17  }
0x8b: {  	[hbm4b:s18+s3] =	stream.linear.scatter [tilespmem:s19], [sflag:$0x1], $0x620, $0x38;
	[tilespmem:$0x15500] =	vst v63  }
0x8c: {  	p0 =	por p2, p2;
	s18 =	sadd.s32 s16, s5;
	s16 =	sadd.s32 $0xECE0, s17  }
0x8d: {  	[hbm4b:s18+s3] =	stream.linear.scatter [tilespmem:s16], [sflag:$0x1], $0x620, $0x38;
	[tilespmem:$0x15500] =	vst v63  }
0x8e: {  	s15 =	simm.s32 @!p0 $0x1  }
0x8f: {  	s14 =	rddreg [dreg:$0x5];
	_ =	swait.ge @!p0 [sflag:s15], $0x6200  }
0x90: {  	s19 =	rddreg [dreg:$0x4];
	[sflag:s15] =	ssyncset.done @!p0 $0x0  }
0x91: {  	s17 =	rddreg [dreg:$0x6];
	[sflag:s15] =	ssyncadd.s32 @!p0 $0xFFFF9E00;
	s16 =	sadd.s32 s0, s19  }
0x92: {  	[tilespmem:s17], [sflag:$0x2] =	stream.linear.gather [hbm4b:s16+s3], $0x620, $0x38;
	[tilespmem:$0x15500] =	vst v63  }
0x93: {  	_ =	swait.ge [sflag:s21], $0x620  }
0x94: {  	s1 =	sand.u32 $0x1, s1;
	s18 =	rddreg [dreg:$0x3];
	[sflag:s21] =	ssyncset.done $0x0  }
0x95: {  	s19 =	rddreg [dreg:$0x7];
	[sflag:s21] =	ssyncadd.s32 $0xFFFFF9E0;
	s15 =	sadd.s32 s0, s18  }
0x96: {  	[tilespmem:s19], [sflag:$0x2] =	stream.linear.gather [hbm4b:s15+s3], $0x620, $0x38;
	[tilespmem:$0x15500] =	vst v63  }
0x97: {  	p0 =	seq.s32 s1, $0x1;
	_ =	swait.ge [sflag:s21], $0x620  }
0x98: {  	s14 =	simm.s32 @!p0 $0x0;
	[sflag:s21] =	ssyncset.done $0x0  }
0x99: {  	s16 =	sadd.s32 s0, s24;
	s17 =	sadd.s32 $0x9100, s14;
	[sflag:s21] =	ssyncadd.s32 $0xFFFFF9E0  }
0x9a: {  	[hbm4b:s16+s3] =	stream.linear.scatter [tilespmem:s17], [sflag:$0x1], $0x620, $0x38;
	[tilespmem:$0x15500] =	vst v63  }
0x9b: {  	s18 =	sadd.s32 s0, s25;
	s19 =	sadd.s32 $0x9720, s14  }
0x9c: {  	[hbm4b:s18+s3] =	stream.linear.scatter [tilespmem:s19], [sflag:$0x1], $0x620, $0x38;
	[tilespmem:$0x15500] =	vst v63  }
0x9d: {  	s16 =	sadd.s32 s0, s26;
	s17 =	sadd.s32 $0x9D40, s14  }
0x9e: {  	[hbm4b:s16+s3] =	stream.linear.scatter [tilespmem:s17], [sflag:$0x1], $0x620, $0x38;
	[tilespmem:$0x15500] =	vst v63  }
0x9f: {  	s18 =	sadd.s32 s0, s28;
	s19 =	sadd.s32 $0xA360, s14  }
0xa0: {  	[hbm4b:s18+s3] =	stream.linear.scatter [tilespmem:s19], [sflag:$0x1], $0x620, $0x38;
	[tilespmem:$0x15500] =	vst v63  }
0xa1: {  	s16 =	sadd.s32 s0, s29;
	s17 =	sadd.s32 $0xA980, s14  }
0xa2: {  	[hbm4b:s16+s3] =	stream.linear.scatter [tilespmem:s17], [sflag:$0x1], $0x620, $0x38;
	[tilespmem:$0x15500] =	vst v63  }
0xa3: {  	s18 =	sadd.s32 s0, s30;
	s19 =	sadd.s32 $0xAFA0, s14  }
0xa4: {  	[hbm4b:s18+s3] =	stream.linear.scatter [tilespmem:s19], [sflag:$0x1], $0x620, $0x38;
	[tilespmem:$0x15500] =	vst v63  }
0xa5: {  	s16 =	sadd.s32 s0, s31;
	s17 =	sadd.s32 $0xB5C0, s14  }
0xa6: {  	[hbm4b:s16+s3] =	stream.linear.scatter [tilespmem:s17], [sflag:$0x1], $0x620, $0x38;
	[tilespmem:$0x15500] =	vst v63  }
0xa7: {  	s18 =	sadd.s32 s0, s13;
	s19 =	sadd.s32 $0xBBE0, s14  }
0xa8: {  	[hbm4b:s18+s3] =	stream.linear.scatter [tilespmem:s19], [sflag:$0x1], $0x620, $0x38;
	[tilespmem:$0x15500] =	vst v63  }
0xa9: {  	s16 =	sadd.s32 s0, s12;
	s17 =	sadd.s32 $0xC200, s14  }
0xaa: {  	[hbm4b:s16+s3] =	stream.linear.scatter [tilespmem:s17], [sflag:$0x1], $0x620, $0x38;
	[tilespmem:$0x15500] =	vst v63  }
0xab: {  	s4 =	sadd.s32 $0x1, s4;
	s18 =	sadd.s32 s0, s11;
	s19 =	sadd.s32 $0xC820, s14  }
0xac: {  	[hbm4b:s18+s3] =	stream.linear.scatter [tilespmem:s19], [sflag:$0x1], $0x620, $0x38;
	[tilespmem:$0x15500] =	vst v63  }
0xad: {  	p0 =	sne.s32 s4, $0x4;
	s16 =	sadd.s32 s0, s10;
	s17 =	sadd.s32 $0xCE40, s14  }
0xae: {  	[hbm4b:s16+s3] =	stream.linear.scatter [tilespmem:s17], [sflag:$0x1], $0x620, $0x38;
	[tilespmem:$0x15500] =	vst v63  }
0xaf: {  	s24 =	sadd.s32 $0x18800, s24;
	s18 =	sadd.s32 s0, s9;
	s19 =	sadd.s32 $0xD460, s14  }
0xb0: {  	[hbm4b:s18+s3] =	stream.linear.scatter [tilespmem:s19], [sflag:$0x1], $0x620, $0x38;
	[tilespmem:$0x15500] =	vst v63  }
0xb1: {  	s25 =	sadd.s32 $0x18800, s25;
	s16 =	sadd.s32 s0, s8;
	s17 =	sadd.s32 $0xDA80, s14  }
0xb2: {  	[hbm4b:s16+s3] =	stream.linear.scatter [tilespmem:s17], [sflag:$0x1], $0x620, $0x38;
	[tilespmem:$0x15500] =	vst v63  }
0xb3: {  	s26 =	sadd.s32 $0x18800, s26;
	s18 =	sadd.s32 s0, s7;
	s19 =	sadd.s32 $0xE0A0, s14  }
0xb4: {  	[hbm4b:s18+s3] =	stream.linear.scatter [tilespmem:s19], [sflag:$0x1], $0x620, $0x38;
	[tilespmem:$0x15500] =	vst v63  }
0xb5: {  	s28 =	sadd.s32 $0x18800, s28;
	s16 =	sadd.s32 s0, s6;
	s17 =	sadd.s32 $0xE6C0, s14  }
0xb6: {  	[hbm4b:s16+s3] =	stream.linear.scatter [tilespmem:s17], [sflag:$0x1], $0x620, $0x38;
	[tilespmem:$0x15500] =	vst v63  }
0xb7: {  	s29 =	sadd.s32 $0x18800, s29;
	s18 =	sadd.s32 s0, s5;
	s19 =	sadd.s32 $0xECE0, s14  }
0xb8: {  	[hbm4b:s18+s3] =	stream.linear.scatter [tilespmem:s19], [sflag:$0x1], $0x620, $0x38;
	[tilespmem:$0x15500] =	vst v63  }
0xb9: {  	s30 =	sadd.s32 $0x18800, s30;
	s31 =	sadd.s32 $0x18800, s31;
	_ =	swait.ge [sflag:s22], $0x6200  }
.Ltmp1:
0xba: {  	s13 =	sadd.s32 $0x18800, s13;
	[sflag:s22] =	ssyncset.done $0x0;
	(pc) =	sbr.rel @p0 .LBB2_2-.Ltmp1, $4  }
0xbb: {  	s12 =	sadd.s32 $0x18800, s12;
	s11 =	sadd.s32 $0x18800, s11;
	[sflag:s22] =	ssyncadd.s32 $0xFFFF9E00  }
0xbc: {  	s10 =	sadd.s32 $0x18800, s10;
	s9 =	sadd.s32 $0x18800, s9;
	_ =	swait.ge [sflag:s22], $0x6200  }
0xbd: {  	s8 =	sadd.s32 $0x18800, s8;
	s7 =	sadd.s32 $0x18800, s7;
	[sflag:s22] =	ssyncset.done $0x0  }
0xbe: {  	s6 =	sadd.s32 $0x18800, s6;
	s5 =	sadd.s32 $0x18800, s5;
	[sflag:s22] =	ssyncadd.s32 $0xFFFF9E00  }
0xbf: {  	s23 =	sadd.s32 $0x1, s23;
	s0 =	rddreg [dreg:$0x8]  }
0xc0: {  	p0 =	sne.s32 s23, s0  }
.Ltmp2:
0xc1: {  	_ = 	snop;
	(pc) =	sbr.rel @p0 .LBB2_1-.Ltmp2, $1  }
0xc2: {  	_ =	sdelay $0x3  }
0xc3: {  	_ =	sfence.sel $0x180000  }
0xc4: {  	[bflag:$0x0] =	sbarrier.arrive $0xFFFF  }
0xc5: {  	_ =	strace $0x90000047  }
0xc6: {  	s0 =	stileid.u32;
	[bflag:$0x2] =	sbarrier.arrive $0xFFFF  }
0xc7: {  	p0 =	sne.s32 s0, $0x0;
	s0 =	rddreg [dreg:$0x2]  }
0xc8: {  	s0 =	sadd.s32 @!p0 $0x100000, s0  }
0xc9: {  	[sflag:s0] =	ssyncadd.tile.s32 @!p0 $0x1;
	_ =	shalt  }
.Lfunc_end2:
_tile_overlayer_lowered:
.L_overlay_start_2:
0xca: {  	(tag) =	ssettag $0x2  }
0xcb: {  	s0 =	rddreg [dreg:$0x0];
	s2 =	stileid.u32  }
0xcc: {  	s1 =	rddreg [dreg:$0x1];
	p0 =	sne.s32 s2, $0x0  }
0xcd: {  	s3 =	rddreg [dreg:$0x2];
	[bflag:$0x3] =	sbarrier.arrive $0xFFFF;
	s2 =	simm.s32 @!p0 $0x1C02  }
0xce: {  	[timem:s3], [sflag:s2] =	dma.local @!p0 [hbm:s0], s1  }
0xcf: {  	s0 =	simm.s32 @!p0 $0x2  }
0xd0: {  	_ =	swait.ge @!p0 [sflag:s0], s1  }
0xd1: {  	s1 =	ssub.s32 @!p0 $0x0, s1;
	[sflag:s0] =	ssyncset.done @!p0 $0x0  }
0xd2: {  	[sflag:s0] =	ssyncadd.s32 @!p0 s1  }
0xd3: {  	[bflag:$0x3] =	sbarrier.arrive $0xFFFF  }
0xd4: {  	_ =	shalt  }

</sc_bundles>
